<compile_context>
chip_gen: v7x
topology: tpu7x:2x2x1
jax: 0.10.2.dev20260603
libtpu: 0.0.44.dev20260713+nightly
codegen_flags: <defaults>
</compile_context>

<pallas_src>
import functools

import jax
import jax.numpy as jnp
from jax import lax
from jax.experimental import pallas as pl
from jax.experimental.pallas import tpu as pltpu
from jax.experimental.pallas import tpu_sc as plsc

_B = 16384
_D = 64
_DR = 32
_E = 1000000
_W = 128
_NC, _NS = 2, 16
_NW = _NC * _NS
_BPW = _B // _NW
_CH = 128
_NCH = _BPW // _CH
_TW = 32768
_TG = -(-_E // _TW)

_GAMMA = 12.0
_EPSILON = 2.0
_EMB_RANGE = (_GAMMA + _EPSILON) / _D
_PI = 3.141592653589793


def _pack_body(parts, in_ref, out_ref):
    x = in_ref[...]
    rows = _TW // parts
    y = jnp.concatenate(
        [x[:, k * rows:(k + 1) * rows] for k in range(parts)], axis=0)
    out_ref[...] = y.T


_pack_ent = pl.pallas_call(
    functools.partial(_pack_body, 2),
    grid=(_TG,),
    in_specs=[pl.BlockSpec((_D, _TW), lambda i: (0, i))],
    out_specs=pl.BlockSpec((_TW // 2, _W), lambda i: (i, 0)),
    out_shape=jax.ShapeDtypeStruct((_TG * (_TW // 2), _W), jnp.float32),
)

_pack_rel = pl.pallas_call(
    functools.partial(_pack_body, 4),
    grid=(_TG,),
    in_specs=[pl.BlockSpec((_DR, _TW), lambda i: (0, i))],
    out_specs=pl.BlockSpec((_TW // 4, _W), lambda i: (i, 0)),
    out_shape=jax.ShapeDtypeStruct((_TG * (_TW // 4), _W), jnp.float32),
)


@functools.cache
def _build_sc_gather():
    mesh = plsc.VectorSubcoreMesh(core_axis_name="c", subcore_axis_name="s")

    @functools.partial(
        pl.kernel,
        out_type=[
            jax.ShapeDtypeStruct((_B, _W), jnp.float32),
            jax.ShapeDtypeStruct((_B, _W), jnp.float32),
            jax.ShapeDtypeStruct((_B, _W), jnp.float32),
        ],
        mesh=mesh,
        scratch_types=[
            pltpu.VMEM((_NCH, _CH), jnp.int32),
            pltpu.VMEM((_NCH, _CH), jnp.int32),
            pltpu.VMEM((_NCH, _CH), jnp.int32),
            pltpu.VMEM((2, _CH, _W), jnp.float32),
            pltpu.VMEM((2, _CH, _W), jnp.float32),
            pltpu.VMEM((2, _CH, _W), jnp.float32),
            pltpu.SemaphoreType.DMA,
            pltpu.SemaphoreType.DMA,
        ],
    )
    def sc_gather(ent_hbm, rel_hbm, hidx_hbm, ridx_hbm, tidx_hbm,
                  head_out, tail_out, rel_out,
                  hidx_v, ridx_v, tidx_v, head_v, tail_v, rel_v, sem0, sem1):
        wid = lax.axis_index("s") * _NC + lax.axis_index("c")
        base = wid * _BPW
        pltpu.sync_copy(hidx_hbm.at[wid], hidx_v)
        pltpu.sync_copy(ridx_hbm.at[wid], ridx_v)
        pltpu.sync_copy(tidx_hbm.at[wid], tidx_v)
        sems = (sem0, sem1)

        def fire(j):
            b = j % 2
            sem = sems[b]
            return [
                pltpu.async_copy(ent_hbm.at[hidx_v.at[j]], head_v.at[b], sem),
                pltpu.async_copy(ent_hbm.at[tidx_v.at[j]], tail_v.at[b], sem),
                pltpu.async_copy(rel_hbm.at[ridx_v.at[j]], rel_v.at[b], sem),
            ]

        inflight = fire(0)
        for j in range(_NCH):
            cur = inflight
            if j + 1 < _NCH:
                inflight = fire(j + 1)
            for c in cur:
                c.wait()
            b = j % 2
            sl = pl.ds(base + j * _CH, _CH)
            pltpu.sync_copy(head_v.at[b], head_out.at[sl])
            pltpu.sync_copy(tail_v.at[b], tail_out.at[sl])
            pltpu.sync_copy(rel_v.at[b], rel_out.at[sl])

    return sc_gather


def _score_body(sel_ref, head_ref, tail_ref, rel_ref, out_ref):
    head = head_ref[...]
    tail = tail_ref[...]
    rel4 = rel_ref[...]
    sel = sel_ref[...]
    hs = sel[:, 0:1]
    ts = sel[:, 1:2]
    rs = sel[:, 2:3]
    re_h = jnp.where(hs == 0, head[:, 0:32], head[:, 64:96])
    im_h = jnp.where(hs == 0, head[:, 32:64], head[:, 96:128])
    re_t = jnp.where(ts == 0, tail[:, 0:32], tail[:, 64:96])
    im_t = jnp.where(ts == 0, tail[:, 32:64], tail[:, 96:128])
    rel = jnp.where(
        rs < 2,
        jnp.where(rs == 0, rel4[:, 0:32], rel4[:, 32:64]),
        jnp.where(rs == 2, rel4[:, 64:96], rel4[:, 96:128]))
    phase = rel * (_PI / _EMB_RANGE)
    z = phase * phase
    re_r = (0.9999999999193034 + z * (-0.4999999988857635 + z * (
        0.04166666415756701 + z * (-0.0013888867458350324 + z * (
            2.4800691025023186e-05 + z * (-2.753698600043623e-07 + z * (
                2.0620701839119626e-09 + z * -9.774914546994687e-12)))))))
    im_r = phase * (0.9999999994764881 + z * (-0.16666666108248002 + z * (
        0.008333323680602606 + z * (-0.0001984064731255232 + z * (
            2.7538252806882422e-06 + z * (-2.475211494496532e-08 + z *
                                          1.3697256740579688e-10))))))
    re_s = re_r * re_t + im_r * im_t - re_h
    im_s = re_r * im_t - im_r * re_t - im_h
    score = jnp.sqrt(re_s * re_s + im_s * im_s)
    out_ref[...] = jnp.sum(score, axis=1, keepdims=True)


_BLK = 4096

_score = pl.pallas_call(
    _score_body,
    grid=(_B // _BLK,),
    in_specs=[
        pl.BlockSpec((_BLK, 3), lambda i: (i, 0)),
        pl.BlockSpec((_BLK, _W), lambda i: (i, 0)),
        pl.BlockSpec((_BLK, _W), lambda i: (i, 0)),
        pl.BlockSpec((_BLK, _W), lambda i: (i, 0)),
    ],
    out_specs=pl.BlockSpec((_BLK, 1), lambda i: (i, 0)),
    out_shape=jax.ShapeDtypeStruct((_B, 1), jnp.float32),
)


def kernel(sample, entity_embedding, relation_embedding):
    ent2 = _pack_ent(entity_embedding.T)
    rel2 = _pack_rel(relation_embedding.T)
    h, r, t = sample[:, 0], sample[:, 1], sample[:, 2]
    hh, qh = _TW // 2, _TW // 4
    hidx = ((h // _TW) * hh + (h % hh)).reshape(_NW, _NCH, _CH)
    ridx = ((r // _TW) * qh + (r % qh)).reshape(_NW, _NCH, _CH)
    tidx = ((t // _TW) * hh + (t % hh)).reshape(_NW, _NCH, _CH)
    head, tail, rel = _build_sc_gather()(ent2, rel2, hidx, ridx, tidx)
    sel = jnp.stack(
        [(h % _TW) // hh, (t % _TW) // hh, (r % _TW) // qh], axis=1)
    return _score(sel, head, tail, rel)

# --- scband reference (transcript-rebuilt; emitter-appended) ---
"""Pipeline reference for scband-rotat-e-60885456388211 (READ-ONLY COPY).

The authoritative reference and input builder live on the scoring server;
editing this copy changes nothing except your own understanding.
"""

import jax, jax.numpy as jnp
import numpy as np

ENTITY_NUM = 1000000
RELATION_NUM = 1000000
HIDDEN_DIM = 64
GAMMA = 12.0
EPSILON = 2.0
EMB_RANGE = (GAMMA + EPSILON) / HIDDEN_DIM  # 0.21875
PI = 3.141592653589793
BATCH = 16384


def setup_inputs(seed: int = 0) -> dict:
    key = jax.random.key(seed)
    k1, k2, k3 = jax.random.split(key, 3)
    sample = jax.random.randint(k1, (BATCH, 3), 0, ENTITY_NUM, dtype=jnp.int32)
    entity_embedding = jax.random.uniform(
        k2, (ENTITY_NUM, HIDDEN_DIM), minval=-EMB_RANGE, maxval=EMB_RANGE, dtype=jnp.float32)
    relation_embedding = jax.random.uniform(
        k3, (RELATION_NUM, HIDDEN_DIM // 2), minval=-EMB_RANGE, maxval=EMB_RANGE, dtype=jnp.float32)
    return {"sample": sample,
            "entity_embedding": entity_embedding,
            "relation_embedding": relation_embedding}


def reference(sample, entity_embedding, relation_embedding):
    # mode == 'single': gather head / relation / tail embeddings
    head = jnp.take(entity_embedding, sample[:, 0], axis=0)[:, None, :]      # [B, 1, D]
    relation = jnp.take(relation_embedding, sample[:, 1], axis=0)[:, None, :]  # [B, 1, D/2]
    tail = jnp.take(entity_embedding, sample[:, 2], axis=0)[:, None, :]      # [B, 1, D]

    # RotatE score (complex rotation), chunking the hidden dim into re/im halves
    re_head, im_head = jnp.split(head, 2, axis=2)
    re_tail, im_tail = jnp.split(tail, 2, axis=2)

    phase_relation = relation / (EMB_RANGE / PI)
    re_relation = jnp.cos(phase_relation)
    im_relation = jnp.sin(phase_relation)

    re_score = re_relation * re_tail + im_relation * im_tail - re_head
    im_score = re_relation * im_tail - im_relation * re_tail - im_head

    score = jnp.sqrt(re_score ** 2 + im_score ** 2)  # norm over stacked re/im
    return score.sum(axis=2)  # [B, 1]

if __name__ == "__main__":
    import jax
    _d = setup_inputs()
    print(jax.jit(kernel)(*tuple(_d.values())))

</pallas_src>

<mosaic_0001>
#map = affine_map<(d0, d1) -> (0, 0)>
#map1 = affine_map<(d0, d1) -> (0, 0, 0)>
module attributes {stable_mosaic.version = 14 : i64} {
  func.func @sc_gather(%arg0: i32, %arg1: i32, %arg2: memref<507904x128xf32, #tpu.memory_space<hbm>>, %arg3: memref<253952x128xf32, #tpu.memory_space<hbm>>, %arg4: memref<32x4x128xi32, #tpu.memory_space<hbm>>, %arg5: memref<32x4x128xi32, #tpu.memory_space<hbm>>, %arg6: memref<32x4x128xi32, #tpu.memory_space<hbm>>, %arg7: memref<16384x128xf32, #tpu.memory_space<hbm>>, %arg8: memref<16384x128xf32, #tpu.memory_space<hbm>>, %arg9: memref<16384x128xf32, #tpu.memory_space<hbm>>, %arg10: memref<4x128xi32, #tpu.memory_space<vmem>>, %arg11: memref<4x128xi32, #tpu.memory_space<vmem>>, %arg12: memref<4x128xi32, #tpu.memory_space<vmem>>, %arg13: memref<2x128x128xf32, #tpu.memory_space<vmem>>, %arg14: memref<2x128x128xf32, #tpu.memory_space<vmem>>, %arg15: memref<2x128x128xf32, #tpu.memory_space<vmem>>, %arg16: memref<!tpu.dma_semaphore, #tpu.memory_space<semaphore_mem>>, %arg17: memref<!tpu.dma_semaphore, #tpu.memory_space<semaphore_mem>>) attributes {dimension_semantics = [#tpu.dimension_semantics<core_parallel>, #tpu.dimension_semantics<subcore_parallel>], iteration_bounds = array<i64: 2, 16>, scalar_prefetch = 0 : i64, scratch_operands = 8 : i64, tpu.core_type = #tpu.core_type<sc_vector_subcore>, window_params = [{transform_indices = #map}, {transform_indices = #map}, {transform_indices = #map1}, {transform_indices = #map1}, {transform_indices = #map1}, {transform_indices = #map}, {transform_indices = #map}, {transform_indices = #map}]} {
    %mul3A = arith.constant 2 : i32
    %mul3A_0 = arith.muli %arg1, %mul3A : i32
    %add3A = arith.addi %mul3A_0, %arg0 : i32
    %mul3A_1 = arith.constant 512 : i32
    %mul3A_2 = arith.muli %add3A, %mul3A_1 : i32
    "tpu.region"() ({
      %run_scoped3A_308 = tpu.sem_alloc : memref<!tpu.dma_semaphore, #tpu.memory_space<semaphore_mem>>
      %dma_start3A_309 = arith.constant 0 : i32
      %dma_start3A_310 = arith.constant 0 : i32
      %dma_start3A_311 = tpu.memref_slice %arg4[%add3A, %dma_start3A_309, %dma_start3A_310] : memref<32x4x128xi32, #tpu.memory_space<hbm>> -> memref<1x4x128xi32, #tpu.memory_space<hbm>>
      %dma_start3A_312 = tpu.memref_squeeze %dma_start3A_311 : memref<1x4x128xi32, #tpu.memory_space<hbm>> -> memref<4x128xi32, #tpu.memory_space<hbm>>
      %dma_start3A_313 = arith.constant 0 : i32
      %dma_start3A_314 = arith.constant 0 : i32
      %dma_start3A_315 = tpu.memref_slice %arg4[%add3A, %dma_start3A_313, %dma_start3A_314] : memref<32x4x128xi32, #tpu.memory_space<hbm>> -> memref<1x4x128xi32, #tpu.memory_space<hbm>>
      %dma_start3A_316 = tpu.memref_squeeze %dma_start3A_315 : memref<1x4x128xi32, #tpu.memory_space<hbm>> -> memref<4x128xi32, #tpu.memory_space<hbm>>
      tpu.enqueue_dma source(%dma_start3A_316 : memref<4x128xi32, #tpu.memory_space<hbm>>) target(%arg10 : memref<4x128xi32, #tpu.memory_space<vmem>>) target_semaphore(%run_scoped3A_308 : memref<!tpu.dma_semaphore, #tpu.memory_space<semaphore_mem>>)
      %dma_wait3A_317 = arith.constant 0 : i32
      %dma_wait3A_318 = arith.constant 0 : i32
      %dma_wait3A_319 = tpu.memref_slice %arg4[%add3A, %dma_wait3A_317, %dma_wait3A_318] : memref<32x4x128xi32, #tpu.memory_space<hbm>> -> memref<1x4x128xi32, #tpu.memory_space<hbm>>
      %dma_wait3A_320 = tpu.memref_squeeze %dma_wait3A_319 : memref<1x4x128xi32, #tpu.memory_space<hbm>> -> memref<4x128xi32, #tpu.memory_space<hbm>>
      %dma_wait3A_321 = arith.constant 0 : i32
      %dma_wait3A_322 = arith.constant 0 : i32
      %dma_wait3A_323 = tpu.memref_slice %arg4[%add3A, %dma_wait3A_321, %dma_wait3A_322] : memref<32x4x128xi32, #tpu.memory_space<hbm>> -> memref<1x4x128xi32, #tpu.memory_space<hbm>>
      %dma_wait3A_324 = tpu.memref_squeeze %dma_wait3A_323 : memref<1x4x128xi32, #tpu.memory_space<hbm>> -> memref<4x128xi32, #tpu.memory_space<hbm>>
      tpu.wait_dma2 semaphore(%run_scoped3A_308 : memref<!tpu.dma_semaphore, #tpu.memory_space<semaphore_mem>>) src(%dma_wait3A_324 : memref<4x128xi32, #tpu.memory_space<hbm>>) dst(%arg10 : memref<4x128xi32, #tpu.memory_space<vmem>>)
      tpu.yield
    }) : () -> ()
    "tpu.region"() ({
      %run_scoped3A_308 = tpu.sem_alloc : memref<!tpu.dma_semaphore, #tpu.memory_space<semaphore_mem>>
      %dma_start3A_309 = arith.constant 0 : i32
      %dma_start3A_310 = arith.constant 0 : i32
      %dma_start3A_311 = tpu.memref_slice %arg5[%add3A, %dma_start3A_309, %dma_start3A_310] : memref<32x4x128xi32, #tpu.memory_space<hbm>> -> memref<1x4x128xi32, #tpu.memory_space<hbm>>
      %dma_start3A_312 = tpu.memref_squeeze %dma_start3A_311 : memref<1x4x128xi32, #tpu.memory_space<hbm>> -> memref<4x128xi32, #tpu.memory_space<hbm>>
      %dma_start3A_313 = arith.constant 0 : i32
      %dma_start3A_314 = arith.constant 0 : i32
      %dma_start3A_315 = tpu.memref_slice %arg5[%add3A, %dma_start3A_313, %dma_start3A_314] : memref<32x4x128xi32, #tpu.memory_space<hbm>> -> memref<1x4x128xi32, #tpu.memory_space<hbm>>
      %dma_start3A_316 = tpu.memref_squeeze %dma_start3A_315 : memref<1x4x128xi32, #tpu.memory_space<hbm>> -> memref<4x128xi32, #tpu.memory_space<hbm>>
      tpu.enqueue_dma source(%dma_start3A_316 : memref<4x128xi32, #tpu.memory_space<hbm>>) target(%arg11 : memref<4x128xi32, #tpu.memory_space<vmem>>) target_semaphore(%run_scoped3A_308 : memref<!tpu.dma_semaphore, #tpu.memory_space<semaphore_mem>>)
      %dma_wait3A_317 = arith.constant 0 : i32
      %dma_wait3A_318 = arith.constant 0 : i32
      %dma_wait3A_319 = tpu.memref_slice %arg5[%add3A, %dma_wait3A_317, %dma_wait3A_318] : memref<32x4x128xi32, #tpu.memory_space<hbm>> -> memref<1x4x128xi32, #tpu.memory_space<hbm>>
      %dma_wait3A_320 = tpu.memref_squeeze %dma_wait3A_319 : memref<1x4x128xi32, #tpu.memory_space<hbm>> -> memref<4x128xi32, #tpu.memory_space<hbm>>
      %dma_wait3A_321 = arith.constant 0 : i32
      %dma_wait3A_322 = arith.constant 0 : i32
      %dma_wait3A_323 = tpu.memref_slice %arg5[%add3A, %dma_wait3A_321, %dma_wait3A_322] : memref<32x4x128xi32, #tpu.memory_space<hbm>> -> memref<1x4x128xi32, #tpu.memory_space<hbm>>
      %dma_wait3A_324 = tpu.memref_squeeze %dma_wait3A_323 : memref<1x4x128xi32, #tpu.memory_space<hbm>> -> memref<4x128xi32, #tpu.memory_space<hbm>>
      tpu.wait_dma2 semaphore(%run_scoped3A_308 : memref<!tpu.dma_semaphore, #tpu.memory_space<semaphore_mem>>) src(%dma_wait3A_324 : memref<4x128xi32, #tpu.memory_space<hbm>>) dst(%arg11 : memref<4x128xi32, #tpu.memory_space<vmem>>)
      tpu.yield
    }) : () -> ()
    "tpu.region"() ({
      %run_scoped3A_308 = tpu.sem_alloc : memref<!tpu.dma_semaphore, #tpu.memory_space<semaphore_mem>>
      %dma_start3A_309 = arith.constant 0 : i32
      %dma_start3A_310 = arith.constant 0 : i32
      %dma_start3A_311 = tpu.memref_slice %arg6[%add3A, %dma_start3A_309, %dma_start3A_310] : memref<32x4x128xi32, #tpu.memory_space<hbm>> -> memref<1x4x128xi32, #tpu.memory_space<hbm>>
      %dma_start3A_312 = tpu.memref_squeeze %dma_start3A_311 : memref<1x4x128xi32, #tpu.memory_space<hbm>> -> memref<4x128xi32, #tpu.memory_space<hbm>>
      %dma_start3A_313 = arith.constant 0 : i32
      %dma_start3A_314 = arith.constant 0 : i32
      %dma_start3A_315 = tpu.memref_slice %arg6[%add3A, %dma_start3A_313, %dma_start3A_314] : memref<32x4x128xi32, #tpu.memory_space<hbm>> -> memref<1x4x128xi32, #tpu.memory_space<hbm>>
      %dma_start3A_316 = tpu.memref_squeeze %dma_start3A_315 : memref<1x4x128xi32, #tpu.memory_space<hbm>> -> memref<4x128xi32, #tpu.memory_space<hbm>>
      tpu.enqueue_dma source(%dma_start3A_316 : memref<4x128xi32, #tpu.memory_space<hbm>>) target(%arg12 : memref<4x128xi32, #tpu.memory_space<vmem>>) target_semaphore(%run_scoped3A_308 : memref<!tpu.dma_semaphore, #tpu.memory_space<semaphore_mem>>)
      %dma_wait3A_317 = arith.constant 0 : i32
      %dma_wait3A_318 = arith.constant 0 : i32
      %dma_wait3A_319 = tpu.memref_slice %arg6[%add3A, %dma_wait3A_317, %dma_wait3A_318] : memref<32x4x128xi32, #tpu.memory_space<hbm>> -> memref<1x4x128xi32, #tpu.memory_space<hbm>>
      %dma_wait3A_320 = tpu.memref_squeeze %dma_wait3A_319 : memref<1x4x128xi32, #tpu.memory_space<hbm>> -> memref<4x128xi32, #tpu.memory_space<hbm>>
      %dma_wait3A_321 = arith.constant 0 : i32
      %dma_wait3A_322 = arith.constant 0 : i32
      %dma_wait3A_323 = tpu.memref_slice %arg6[%add3A, %dma_wait3A_321, %dma_wait3A_322] : memref<32x4x128xi32, #tpu.memory_space<hbm>> -> memref<1x4x128xi32, #tpu.memory_space<hbm>>
      %dma_wait3A_324 = tpu.memref_squeeze %dma_wait3A_323 : memref<1x4x128xi32, #tpu.memory_space<hbm>> -> memref<4x128xi32, #tpu.memory_space<hbm>>
      tpu.wait_dma2 semaphore(%run_scoped3A_308 : memref<!tpu.dma_semaphore, #tpu.memory_space<semaphore_mem>>) src(%dma_wait3A_324 : memref<4x128xi32, #tpu.memory_space<hbm>>) dst(%arg12 : memref<4x128xi32, #tpu.memory_space<vmem>>)
      tpu.yield
    }) : () -> ()
    %dma_start3A = arith.constant 0 : i32
    %dma_start3A_3 = arith.constant 0 : i32
    %dma_start3A_4 = arith.constant 0 : i32
    %dma_start3A_5 = arith.constant 0 : i32
    %dma_start3A_6 = tpu.memref_slice %arg13[%dma_start3A_3, %dma_start3A_4, %dma_start3A_5] : memref<2x128x128xf32, #tpu.memory_space<vmem>> -> memref<1x128x128xf32, #tpu.memory_space<vmem>>
    %dma_start3A_7 = tpu.memref_squeeze %dma_start3A_6 : memref<1x128x128xf32, #tpu.memory_space<vmem>> -> memref<128x128xf32, #tpu.memory_space<vmem>>
    %dma_start3A_8 = arith.constant 0 : i32
    %dma_start3A_9 = tpu.memref_slice %arg10[%dma_start3A, %dma_start3A_8] : memref<4x128xi32, #tpu.memory_space<vmem>> -> memref<1x128xi32, #tpu.memory_space<vmem>>
    %dma_start3A_10 = tpu.memref_squeeze %dma_start3A_9 : memref<1x128xi32, #tpu.memory_space<vmem>> -> memref<128xi32, #tpu.memory_space<vmem>>
    %dma_start3A_11 = arith.constant 0 : i32
    %dma_start3A_12 = arith.constant 0 : i32
    %dma_start3A_13 = tpu.memref_slice %arg2[%dma_start3A_11, %dma_start3A_12] : memref<507904x128xf32, #tpu.memory_space<hbm>> -> memref<507904x128xf32, #tpu.memory_space<hbm>>
    tpu.enqueue_indirect_dma source(%dma_start3A_13 : memref<507904x128xf32, #tpu.memory_space<hbm>>) target(%dma_start3A_7 : memref<128x128xf32, #tpu.memory_space<vmem>>) offsets(%dma_start3A_10 : memref<128xi32, #tpu.memory_space<vmem>>) semaphore(%arg16 : memref<!tpu.dma_semaphore, #tpu.memory_space<semaphore_mem>>)
    %dma_start3A_14 = arith.constant 0 : i32
    %dma_start3A_15 = arith.constant 0 : i32
    %dma_start3A_16 = arith.constant 0 : i32
    %dma_start3A_17 = arith.constant 0 : i32
    %dma_start3A_18 = tpu.memref_slice %arg14[%dma_start3A_15, %dma_start3A_16, %dma_start3A_17] : memref<2x128x128xf32, #tpu.memory_space<vmem>> -> memref<1x128x128xf32, #tpu.memory_space<vmem>>
    %dma_start3A_19 = tpu.memref_squeeze %dma_start3A_18 : memref<1x128x128xf32, #tpu.memory_space<vmem>> -> memref<128x128xf32, #tpu.memory_space<vmem>>
    %dma_start3A_20 = arith.constant 0 : i32
    %dma_start3A_21 = tpu.memref_slice %arg12[%dma_start3A_14, %dma_start3A_20] : memref<4x128xi32, #tpu.memory_space<vmem>> -> memref<1x128xi32, #tpu.memory_space<vmem>>
    %dma_start3A_22 = tpu.memref_squeeze %dma_start3A_21 : memref<1x128xi32, #tpu.memory_space<vmem>> -> memref<128xi32, #tpu.memory_space<vmem>>
    %dma_start3A_23 = arith.constant 0 : i32
    %dma_start3A_24 = arith.constant 0 : i32
    %dma_start3A_25 = tpu.memref_slice %arg2[%dma_start3A_23, %dma_start3A_24] : memref<507904x128xf32, #tpu.memory_space<hbm>> -> memref<507904x128xf32, #tpu.memory_space<hbm>>
    tpu.enqueue_indirect_dma source(%dma_start3A_25 : memref<507904x128xf32, #tpu.memory_space<hbm>>) target(%dma_start3A_19 : memref<128x128xf32, #tpu.memory_space<vmem>>) offsets(%dma_start3A_22 : memref<128xi32, #tpu.memory_space<vmem>>) semaphore(%arg16 : memref<!tpu.dma_semaphore, #tpu.memory_space<semaphore_mem>>)
    %dma_start3A_26 = arith.constant 0 : i32
    %dma_start3A_27 = arith.constant 0 : i32
    %dma_start3A_28 = arith.constant 0 : i32
    %dma_start3A_29 = arith.constant 0 : i32
    %dma_start3A_30 = tpu.memref_slice %arg15[%dma_start3A_27, %dma_start3A_28, %dma_start3A_29] : memref<2x128x128xf32, #tpu.memory_space<vmem>> -> memref<1x128x128xf32, #tpu.memory_space<vmem>>
    %dma_start3A_31 = tpu.memref_squeeze %dma_start3A_30 : memref<1x128x128xf32, #tpu.memory_space<vmem>> -> memref<128x128xf32, #tpu.memory_space<vmem>>
    %dma_start3A_32 = arith.constant 0 : i32
    %dma_start3A_33 = tpu.memref_slice %arg11[%dma_start3A_26, %dma_start3A_32] : memref<4x128xi32, #tpu.memory_space<vmem>> -> memref<1x128xi32, #tpu.memory_space<vmem>>
    %dma_start3A_34 = tpu.memref_squeeze %dma_start3A_33 : memref<1x128xi32, #tpu.memory_space<vmem>> -> memref<128xi32, #tpu.memory_space<vmem>>
    %dma_start3A_35 = arith.constant 0 : i32
    %dma_start3A_36 = arith.constant 0 : i32
    %dma_start3A_37 = tpu.memref_slice %arg3[%dma_start3A_35, %dma_start3A_36] : memref<253952x128xf32, #tpu.memory_space<hbm>> -> memref<253952x128xf32, #tpu.memory_space<hbm>>
    tpu.enqueue_indirect_dma source(%dma_start3A_37 : memref<253952x128xf32, #tpu.memory_space<hbm>>) target(%dma_start3A_31 : memref<128x128xf32, #tpu.memory_space<vmem>>) offsets(%dma_start3A_34 : memref<128xi32, #tpu.memory_space<vmem>>) semaphore(%arg16 : memref<!tpu.dma_semaphore, #tpu.memory_space<semaphore_mem>>)
    %dma_start3A_38 = arith.constant 1 : i32
    %dma_start3A_39 = arith.constant 1 : i32
    %dma_start3A_40 = arith.constant 0 : i32
    %dma_start3A_41 = arith.constant 0 : i32
    %dma_start3A_42 = tpu.memref_slice %arg13[%dma_start3A_39, %dma_start3A_40, %dma_start3A_41] : memref<2x128x128xf32, #tpu.memory_space<vmem>> -> memref<1x128x128xf32, #tpu.memory_space<vmem>>
    %dma_start3A_43 = tpu.memref_squeeze %dma_start3A_42 : memref<1x128x128xf32, #tpu.memory_space<vmem>> -> memref<128x128xf32, #tpu.memory_space<vmem>>
    %dma_start3A_44 = arith.constant 0 : i32
    %dma_start3A_45 = tpu.memref_slice %arg10[%dma_start3A_38, %dma_start3A_44] : memref<4x128xi32, #tpu.memory_space<vmem>> -> memref<1x128xi32, #tpu.memory_space<vmem>>
    %dma_start3A_46 = tpu.memref_squeeze %dma_start3A_45 : memref<1x128xi32, #tpu.memory_space<vmem>> -> memref<128xi32, #tpu.memory_space<vmem>>
    %dma_start3A_47 = arith.constant 0 : i32
    %dma_start3A_48 = arith.constant 0 : i32
    %dma_start3A_49 = tpu.memref_slice %arg2[%dma_start3A_47, %dma_start3A_48] : memref<507904x128xf32, #tpu.memory_space<hbm>> -> memref<507904x128xf32, #tpu.memory_space<hbm>>
    tpu.enqueue_indirect_dma source(%dma_start3A_49 : memref<507904x128xf32, #tpu.memory_space<hbm>>) target(%dma_start3A_43 : memref<128x128xf32, #tpu.memory_space<vmem>>) offsets(%dma_start3A_46 : memref<128xi32, #tpu.memory_space<vmem>>) semaphore(%arg17 : memref<!tpu.dma_semaphore, #tpu.memory_space<semaphore_mem>>)
    %dma_start3A_50 = arith.constant 1 : i32
    %dma_start3A_51 = arith.constant 1 : i32
    %dma_start3A_52 = arith.constant 0 : i32
    %dma_start3A_53 = arith.constant 0 : i32
    %dma_start3A_54 = tpu.memref_slice %arg14[%dma_start3A_51, %dma_start3A_52, %dma_start3A_53] : memref<2x128x128xf32, #tpu.memory_space<vmem>> -> memref<1x128x128xf32, #tpu.memory_space<vmem>>
    %dma_start3A_55 = tpu.memref_squeeze %dma_start3A_54 : memref<1x128x128xf32, #tpu.memory_space<vmem>> -> memref<128x128xf32, #tpu.memory_space<vmem>>
    %dma_start3A_56 = arith.constant 0 : i32
    %dma_start3A_57 = tpu.memref_slice %arg12[%dma_start3A_50, %dma_start3A_56] : memref<4x128xi32, #tpu.memory_space<vmem>> -> memref<1x128xi32, #tpu.memory_space<vmem>>
    %dma_start3A_58 = tpu.memref_squeeze %dma_start3A_57 : memref<1x128xi32, #tpu.memory_space<vmem>> -> memref<128xi32, #tpu.memory_space<vmem>>
    %dma_start3A_59 = arith.constant 0 : i32
    %dma_start3A_60 = arith.constant 0 : i32
    %dma_start3A_61 = tpu.memref_slice %arg2[%dma_start3A_59, %dma_start3A_60] : memref<507904x128xf32, #tpu.memory_space<hbm>> -> memref<507904x128xf32, #tpu.memory_space<hbm>>
    tpu.enqueue_indirect_dma source(%dma_start3A_61 : memref<507904x128xf32, #tpu.memory_space<hbm>>) target(%dma_start3A_55 : memref<128x128xf32, #tpu.memory_space<vmem>>) offsets(%dma_start3A_58 : memref<128xi32, #tpu.memory_space<vmem>>) semaphore(%arg17 : memref<!tpu.dma_semaphore, #tpu.memory_space<semaphore_mem>>)
    %dma_start3A_62 = arith.constant 1 : i32
    %dma_start3A_63 = arith.constant 1 : i32
    %dma_start3A_64 = arith.constant 0 : i32
    %dma_start3A_65 = arith.constant 0 : i32
    %dma_start3A_66 = tpu.memref_slice %arg15[%dma_start3A_63, %dma_start3A_64, %dma_start3A_65] : memref<2x128x128xf32, #tpu.memory_space<vmem>> -> memref<1x128x128xf32, #tpu.memory_space<vmem>>
    %dma_start3A_67 = tpu.memref_squeeze %dma_start3A_66 : memref<1x128x128xf32, #tpu.memory_space<vmem>> -> memref<128x128xf32, #tpu.memory_space<vmem>>
    %dma_start3A_68 = arith.constant 0 : i32
    %dma_start3A_69 = tpu.memref_slice %arg11[%dma_start3A_62, %dma_start3A_68] : memref<4x128xi32, #tpu.memory_space<vmem>> -> memref<1x128xi32, #tpu.memory_space<vmem>>
    %dma_start3A_70 = tpu.memref_squeeze %dma_start3A_69 : memref<1x128xi32, #tpu.memory_space<vmem>> -> memref<128xi32, #tpu.memory_space<vmem>>
    %dma_start3A_71 = arith.constant 0 : i32
    %dma_start3A_72 = arith.constant 0 : i32
    %dma_start3A_73 = tpu.memref_slice %arg3[%dma_start3A_71, %dma_start3A_72] : memref<253952x128xf32, #tpu.memory_space<hbm>> -> memref<253952x128xf32, #tpu.memory_space<hbm>>
    tpu.enqueue_indirect_dma source(%dma_start3A_73 : memref<253952x128xf32, #tpu.memory_space<hbm>>) target(%dma_start3A_67 : memref<128x128xf32, #tpu.memory_space<vmem>>) offsets(%dma_start3A_70 : memref<128xi32, #tpu.memory_space<vmem>>) semaphore(%arg17 : memref<!tpu.dma_semaphore, #tpu.memory_space<semaphore_mem>>)
    %dma_wait3A = arith.constant 0 : i32
    %dma_wait3A_74 = arith.constant 0 : i32
    %dma_wait3A_75 = arith.constant 0 : i32
    %dma_wait3A_76 = arith.constant 0 : i32
    %dma_wait3A_77 = tpu.memref_slice %arg13[%dma_wait3A_74, %dma_wait3A_75, %dma_wait3A_76] : memref<2x128x128xf32, #tpu.memory_space<vmem>> -> memref<1x128x128xf32, #tpu.memory_space<vmem>>
    %dma_wait3A_78 = tpu.memref_squeeze %dma_wait3A_77 : memref<1x128x128xf32, #tpu.memory_space<vmem>> -> memref<128x128xf32, #tpu.memory_space<vmem>>
    %dma_wait3A_79 = arith.constant 0 : i32
    %dma_wait3A_80 = tpu.memref_slice %arg10[%dma_wait3A, %dma_wait3A_79] : memref<4x128xi32, #tpu.memory_space<vmem>> -> memref<1x128xi32, #tpu.memory_space<vmem>>
    %dma_wait3A_81 = tpu.memref_squeeze %dma_wait3A_80 : memref<1x128xi32, #tpu.memory_space<vmem>> -> memref<128xi32, #tpu.memory_space<vmem>>
    %dma_wait3A_82 = arith.constant 0 : i32
    %dma_wait3A_83 = arith.constant 0 : i32
    %dma_wait3A_84 = tpu.memref_slice %arg2[%dma_wait3A_82, %dma_wait3A_83] : memref<507904x128xf32, #tpu.memory_space<hbm>> -> memref<507904x128xf32, #tpu.memory_space<hbm>>
    tpu.wait_indirect_dma semaphore(%arg16 : memref<!tpu.dma_semaphore, #tpu.memory_space<semaphore_mem>>) src(%dma_wait3A_84 : memref<507904x128xf32, #tpu.memory_space<hbm>>) dst(%dma_wait3A_78 : memref<128x128xf32, #tpu.memory_space<vmem>>)
    %dma_wait3A_85 = arith.constant 0 : i32
    %dma_wait3A_86 = arith.constant 0 : i32
    %dma_wait3A_87 = arith.constant 0 : i32
    %dma_wait3A_88 = arith.constant 0 : i32
    %dma_wait3A_89 = tpu.memref_slice %arg14[%dma_wait3A_86, %dma_wait3A_87, %dma_wait3A_88] : memref<2x128x128xf32, #tpu.memory_space<vmem>> -> memref<1x128x128xf32, #tpu.memory_space<vmem>>
    %dma_wait3A_90 = tpu.memref_squeeze %dma_wait3A_89 : memref<1x128x128xf32, #tpu.memory_space<vmem>> -> memref<128x128xf32, #tpu.memory_space<vmem>>
    %dma_wait3A_91 = arith.constant 0 : i32
    %dma_wait3A_92 = tpu.memref_slice %arg12[%dma_wait3A_85, %dma_wait3A_91] : memref<4x128xi32, #tpu.memory_space<vmem>> -> memref<1x128xi32, #tpu.memory_space<vmem>>
    %dma_wait3A_93 = tpu.memref_squeeze %dma_wait3A_92 : memref<1x128xi32, #tpu.memory_space<vmem>> -> memref<128xi32, #tpu.memory_space<vmem>>
    %dma_wait3A_94 = arith.constant 0 : i32
    %dma_wait3A_95 = arith.constant 0 : i32
    %dma_wait3A_96 = tpu.memref_slice %arg2[%dma_wait3A_94, %dma_wait3A_95] : memref<507904x128xf32, #tpu.memory_space<hbm>> -> memref<507904x128xf32, #tpu.memory_space<hbm>>
    tpu.wait_indirect_dma semaphore(%arg16 : memref<!tpu.dma_semaphore, #tpu.memory_space<semaphore_mem>>) src(%dma_wait3A_96 : memref<507904x128xf32, #tpu.memory_space<hbm>>) dst(%dma_wait3A_90 : memref<128x128xf32, #tpu.memory_space<vmem>>)
    %dma_wait3A_97 = arith.constant 0 : i32
    %dma_wait3A_98 = arith.constant 0 : i32
    %dma_wait3A_99 = arith.constant 0 : i32
    %dma_wait3A_100 = arith.constant 0 : i32
    %dma_wait3A_101 = tpu.memref_slice %arg15[%dma_wait3A_98, %dma_wait3A_99, %dma_wait3A_100] : memref<2x128x128xf32, #tpu.memory_space<vmem>> -> memref<1x128x128xf32, #tpu.memory_space<vmem>>
    %dma_wait3A_102 = tpu.memref_squeeze %dma_wait3A_101 : memref<1x128x128xf32, #tpu.memory_space<vmem>> -> memref<128x128xf32, #tpu.memory_space<vmem>>
    %dma_wait3A_103 = arith.constant 0 : i32
    %dma_wait3A_104 = tpu.memref_slice %arg11[%dma_wait3A_97, %dma_wait3A_103] : memref<4x128xi32, #tpu.memory_space<vmem>> -> memref<1x128xi32, #tpu.memory_space<vmem>>
    %dma_wait3A_105 = tpu.memref_squeeze %dma_wait3A_104 : memref<1x128xi32, #tpu.memory_space<vmem>> -> memref<128xi32, #tpu.memory_space<vmem>>
    %dma_wait3A_106 = arith.constant 0 : i32
    %dma_wait3A_107 = arith.constant 0 : i32
    %dma_wait3A_108 = tpu.memref_slice %arg3[%dma_wait3A_106, %dma_wait3A_107] : memref<253952x128xf32, #tpu.memory_space<hbm>> -> memref<253952x128xf32, #tpu.memory_space<hbm>>
    tpu.wait_indirect_dma semaphore(%arg16 : memref<!tpu.dma_semaphore, #tpu.memory_space<semaphore_mem>>) src(%dma_wait3A_108 : memref<253952x128xf32, #tpu.memory_space<hbm>>) dst(%dma_wait3A_102 : memref<128x128xf32, #tpu.memory_space<vmem>>)
    %add3A_109 = arith.constant 0 : i32
    %add3A_110 = arith.addi %mul3A_2, %add3A_109 : i32
    %run_scoped3A = arith.constant 0 : i32
    "tpu.region"() ({
      %run_scoped3A_308 = tpu.sem_alloc : memref<!tpu.dma_semaphore, #tpu.memory_space<semaphore_mem>>
      %dma_start3A_309 = arith.constant 0 : i32
      %dma_start3A_310 = arith.constant 0 : i32
      %dma_start3A_311 = tpu.memref_slice %arg13[%run_scoped3A, %dma_start3A_309, %dma_start3A_310] : memref<2x128x128xf32, #tpu.memory_space<vmem>> -> memref<1x128x128xf32, #tpu.memory_space<vmem>>
      %dma_start3A_312 = tpu.memref_squeeze %dma_start3A_311 : memref<1x128x128xf32, #tpu.memory_space<vmem>> -> memref<128x128xf32, #tpu.memory_space<vmem>>
      %dma_start3A_313 = arith.constant 0 : i32
      %dma_start3A_314 = tpu.memref_slice %arg7[%add3A_110, %dma_start3A_313] : memref<16384x128xf32, #tpu.memory_space<hbm>> -> memref<128x128xf32, #tpu.memory_space<hbm>>
      %dma_start3A_315 = arith.constant 0 : i32
      %dma_start3A_316 = tpu.memref_slice %arg7[%add3A_110, %dma_start3A_315] : memref<16384x128xf32, #tpu.memory_space<hbm>> -> memref<128x128xf32, #tpu.memory_space<hbm>>
      %dma_start3A_317 = arith.constant 0 : i32
      %dma_start3A_318 = arith.constant 0 : i32
      %dma_start3A_319 = tpu.memref_slice %arg13[%run_scoped3A, %dma_start3A_317, %dma_start3A_318] : memref<2x128x128xf32, #tpu.memory_space<vmem>> -> memref<1x128x128xf32, #tpu.memory_space<vmem>>
      %dma_start3A_320 = tpu.memref_squeeze %dma_start3A_319 : memref<1x128x128xf32, #tpu.memory_space<vmem>> -> memref<128x128xf32, #tpu.memory_space<vmem>>
      tpu.enqueue_dma source(%dma_start3A_320 : memref<128x128xf32, #tpu.memory_space<vmem>>) target(%dma_start3A_316 : memref<128x128xf32, #tpu.memory_space<hbm>>) target_semaphore(%run_scoped3A_308 : memref<!tpu.dma_semaphore, #tpu.memory_space<semaphore_mem>>)
      %dma_wait3A_321 = arith.constant 0 : i32
      %dma_wait3A_322 = arith.constant 0 : i32
      %dma_wait3A_323 = tpu.memref_slice %arg13[%run_scoped3A, %dma_wait3A_321, %dma_wait3A_322] : memref<2x128x128xf32, #tpu.memory_space<vmem>> -> memref<1x128x128xf32, #tpu.memory_space<vmem>>
      %dma_wait3A_324 = tpu.memref_squeeze %dma_wait3A_323 : memref<1x128x128xf32, #tpu.memory_space<vmem>> -> memref<128x128xf32, #tpu.memory_space<vmem>>
      %dma_wait3A_325 = arith.constant 0 : i32
      %dma_wait3A_326 = tpu.memref_slice %arg7[%add3A_110, %dma_wait3A_325] : memref<16384x128xf32, #tpu.memory_space<hbm>> -> memref<128x128xf32, #tpu.memory_space<hbm>>
      %dma_wait3A_327 = arith.constant 0 : i32
      %dma_wait3A_328 = tpu.memref_slice %arg7[%add3A_110, %dma_wait3A_327] : memref<16384x128xf32, #tpu.memory_space<hbm>> -> memref<128x128xf32, #tpu.memory_space<hbm>>
      %dma_wait3A_329 = arith.constant 0 : i32
      %dma_wait3A_330 = arith.constant 0 : i32
      %dma_wait3A_331 = tpu.memref_slice %arg13[%run_scoped3A, %dma_wait3A_329, %dma_wait3A_330] : memref<2x128x128xf32, #tpu.memory_space<vmem>> -> memref<1x128x128xf32, #tpu.memory_space<vmem>>
      %dma_wait3A_332 = tpu.memref_squeeze %dma_wait3A_331 : memref<1x128x128xf32, #tpu.memory_space<vmem>> -> memref<128x128xf32, #tpu.memory_space<vmem>>
      tpu.wait_dma2 semaphore(%run_scoped3A_308 : memref<!tpu.dma_semaphore, #tpu.memory_space<semaphore_mem>>) src(%dma_wait3A_332 : memref<128x128xf32, #tpu.memory_space<vmem>>) dst(%dma_wait3A_328 : memref<128x128xf32, #tpu.memory_space<hbm>>)
      tpu.yield
    }) : () -> ()
    %run_scoped3A_111 = arith.constant 0 : i32
    "tpu.region"() ({
      %run_scoped3A_308 = tpu.sem_alloc : memref<!tpu.dma_semaphore, #tpu.memory_space<semaphore_mem>>
      %dma_start3A_309 = arith.constant 0 : i32
      %dma_start3A_310 = arith.constant 0 : i32
      %dma_start3A_311 = tpu.memref_slice %arg14[%run_scoped3A_111, %dma_start3A_309, %dma_start3A_310] : memref<2x128x128xf32, #tpu.memory_space<vmem>> -> memref<1x128x128xf32, #tpu.memory_space<vmem>>
      %dma_start3A_312 = tpu.memref_squeeze %dma_start3A_311 : memref<1x128x128xf32, #tpu.memory_space<vmem>> -> memref<128x128xf32, #tpu.memory_space<vmem>>
      %dma_start3A_313 = arith.constant 0 : i32
      %dma_start3A_314 = tpu.memref_slice %arg8[%add3A_110, %dma_start3A_313] : memref<16384x128xf32, #tpu.memory_space<hbm>> -> memref<128x128xf32, #tpu.memory_space<hbm>>
      %dma_start3A_315 = arith.constant 0 : i32
      %dma_start3A_316 = tpu.memref_slice %arg8[%add3A_110, %dma_start3A_315] : memref<16384x128xf32, #tpu.memory_space<hbm>> -> memref<128x128xf32, #tpu.memory_space<hbm>>
      %dma_start3A_317 = arith.constant 0 : i32
      %dma_start3A_318 = arith.constant 0 : i32
      %dma_start3A_319 = tpu.memref_slice %arg14[%run_scoped3A_111, %dma_start3A_317, %dma_start3A_318] : memref<2x128x128xf32, #tpu.memory_space<vmem>> -> memref<1x128x128xf32, #tpu.memory_space<vmem>>
      %dma_start3A_320 = tpu.memref_squeeze %dma_start3A_319 : memref<1x128x128xf32, #tpu.memory_space<vmem>> -> memref<128x128xf32, #tpu.memory_space<vmem>>
      tpu.enqueue_dma source(%dma_start3A_320 : memref<128x128xf32, #tpu.memory_space<vmem>>) target(%dma_start3A_316 : memref<128x128xf32, #tpu.memory_space<hbm>>) target_semaphore(%run_scoped3A_308 : memref<!tpu.dma_semaphore, #tpu.memory_space<semaphore_mem>>)
      %dma_wait3A_321 = arith.constant 0 : i32
      %dma_wait3A_322 = arith.constant 0 : i32
      %dma_wait3A_323 = tpu.memref_slice %arg14[%run_scoped3A_111, %dma_wait3A_321, %dma_wait3A_322] : memref<2x128x128xf32, #tpu.memory_space<vmem>> -> memref<1x128x128xf32, #tpu.memory_space<vmem>>
      %dma_wait3A_324 = tpu.memref_squeeze %dma_wait3A_323 : memref<1x128x128xf32, #tpu.memory_space<vmem>> -> memref<128x128xf32, #tpu.memory_space<vmem>>
      %dma_wait3A_325 = arith.constant 0 : i32
      %dma_wait3A_326 = tpu.memref_slice %arg8[%add3A_110, %dma_wait3A_325] : memref<16384x128xf32, #tpu.memory_space<hbm>> -> memref<128x128xf32, #tpu.memory_space<hbm>>
      %dma_wait3A_327 = arith.constant 0 : i32
      %dma_wait3A_328 = tpu.memref_slice %arg8[%add3A_110, %dma_wait3A_327] : memref<16384x128xf32, #tpu.memory_space<hbm>> -> memref<128x128xf32, #tpu.memory_space<hbm>>
      %dma_wait3A_329 = arith.constant 0 : i32
      %dma_wait3A_330 = arith.constant 0 : i32
      %dma_wait3A_331 = tpu.memref_slice %arg14[%run_scoped3A_111, %dma_wait3A_329, %dma_wait3A_330] : memref<2x128x128xf32, #tpu.memory_space<vmem>> -> memref<1x128x128xf32, #tpu.memory_space<vmem>>
      %dma_wait3A_332 = tpu.memref_squeeze %dma_wait3A_331 : memref<1x128x128xf32, #tpu.memory_space<vmem>> -> memref<128x128xf32, #tpu.memory_space<vmem>>
      tpu.wait_dma2 semaphore(%run_scoped3A_308 : memref<!tpu.dma_semaphore, #tpu.memory_space<semaphore_mem>>) src(%dma_wait3A_332 : memref<128x128xf32, #tpu.memory_space<vmem>>) dst(%dma_wait3A_328 : memref<128x128xf32, #tpu.memory_space<hbm>>)
      tpu.yield
    }) : () -> ()
    %run_scoped3A_112 = arith.constant 0 : i32
    "tpu.region"() ({
      %run_scoped3A_308 = tpu.sem_alloc : memref<!tpu.dma_semaphore, #tpu.memory_space<semaphore_mem>>
      %dma_start3A_309 = arith.constant 0 : i32
      %dma_start3A_310 = arith.constant 0 : i32
      %dma_start3A_311 = tpu.memref_slice %arg15[%run_scoped3A_112, %dma_start3A_309, %dma_start3A_310] : memref<2x128x128xf32, #tpu.memory_space<vmem>> -> memref<1x128x128xf32, #tpu.memory_space<vmem>>
      %dma_start3A_312 = tpu.memref_squeeze %dma_start3A_311 : memref<1x128x128xf32, #tpu.memory_space<vmem>> -> memref<128x128xf32, #tpu.memory_space<vmem>>
      %dma_start3A_313 = arith.constant 0 : i32
      %dma_start3A_314 = tpu.memref_slice %arg9[%add3A_110, %dma_start3A_313] : memref<16384x128xf32, #tpu.memory_space<hbm>> -> memref<128x128xf32, #tpu.memory_space<hbm>>
      %dma_start3A_315 = arith.constant 0 : i32
      %dma_start3A_316 = tpu.memref_slice %arg9[%add3A_110, %dma_start3A_315] : memref<16384x128xf32, #tpu.memory_space<hbm>> -> memref<128x128xf32, #tpu.memory_space<hbm>>
      %dma_start3A_317 = arith.constant 0 : i32
      %dma_start3A_318 = arith.constant 0 : i32
      %dma_start3A_319 = tpu.memref_slice %arg15[%run_scoped3A_112, %dma_start3A_317, %dma_start3A_318] : memref<2x128x128xf32, #tpu.memory_space<vmem>> -> memref<1x128x128xf32, #tpu.memory_space<vmem>>
      %dma_start3A_320 = tpu.memref_squeeze %dma_start3A_319 : memref<1x128x128xf32, #tpu.memory_space<vmem>> -> memref<128x128xf32, #tpu.memory_space<vmem>>
      tpu.enqueue_dma source(%dma_start3A_320 : memref<128x128xf32, #tpu.memory_space<vmem>>) target(%dma_start3A_316 : memref<128x128xf32, #tpu.memory_space<hbm>>) target_semaphore(%run_scoped3A_308 : memref<!tpu.dma_semaphore, #tpu.memory_space<semaphore_mem>>)
      %dma_wait3A_321 = arith.constant 0 : i32
      %dma_wait3A_322 = arith.constant 0 : i32
      %dma_wait3A_323 = tpu.memref_slice %arg15[%run_scoped3A_112, %dma_wait3A_321, %dma_wait3A_322] : memref<2x128x128xf32, #tpu.memory_space<vmem>> -> memref<1x128x128xf32, #tpu.memory_space<vmem>>
      %dma_wait3A_324 = tpu.memref_squeeze %dma_wait3A_323 : memref<1x128x128xf32, #tpu.memory_space<vmem>> -> memref<128x128xf32, #tpu.memory_space<vmem>>
      %dma_wait3A_325 = arith.constant 0 : i32
      %dma_wait3A_326 = tpu.memref_slice %arg9[%add3A_110, %dma_wait3A_325] : memref<16384x128xf32, #tpu.memory_space<hbm>> -> memref<128x128xf32, #tpu.memory_space<hbm>>
      %dma_wait3A_327 = arith.constant 0 : i32
      %dma_wait3A_328 = tpu.memref_slice %arg9[%add3A_110, %dma_wait3A_327] : memref<16384x128xf32, #tpu.memory_space<hbm>> -> memref<128x128xf32, #tpu.memory_space<hbm>>
      %dma_wait3A_329 = arith.constant 0 : i32
      %dma_wait3A_330 = arith.constant 0 : i32
      %dma_wait3A_331 = tpu.memref_slice %arg15[%run_scoped3A_112, %dma_wait3A_329, %dma_wait3A_330] : memref<2x128x128xf32, #tpu.memory_space<vmem>> -> memref<1x128x128xf32, #tpu.memory_space<vmem>>
      %dma_wait3A_332 = tpu.memref_squeeze %dma_wait3A_331 : memref<1x128x128xf32, #tpu.memory_space<vmem>> -> memref<128x128xf32, #tpu.memory_space<vmem>>
      tpu.wait_dma2 semaphore(%run_scoped3A_308 : memref<!tpu.dma_semaphore, #tpu.memory_space<semaphore_mem>>) src(%dma_wait3A_332 : memref<128x128xf32, #tpu.memory_space<vmem>>) dst(%dma_wait3A_328 : memref<128x128xf32, #tpu.memory_space<hbm>>)
      tpu.yield
    }) : () -> ()
    %dma_start3A_113 = arith.constant 2 : i32
    %dma_start3A_114 = arith.constant 0 : i32
    %dma_start3A_115 = arith.constant 0 : i32
    %dma_start3A_116 = arith.constant 0 : i32
    %dma_start3A_117 = tpu.memref_slice %arg13[%dma_start3A_114, %dma_start3A_115, %dma_start3A_116] : memref<2x128x128xf32, #tpu.memory_space<vmem>> -> memref<1x128x128xf32, #tpu.memory_space<vmem>>
    %dma_start3A_118 = tpu.memref_squeeze %dma_start3A_117 : memref<1x128x128xf32, #tpu.memory_space<vmem>> -> memref<128x128xf32, #tpu.memory_space<vmem>>
    %dma_start3A_119 = arith.constant 0 : i32
    %dma_start3A_120 = tpu.memref_slice %arg10[%dma_start3A_113, %dma_start3A_119] : memref<4x128xi32, #tpu.memory_space<vmem>> -> memref<1x128xi32, #tpu.memory_space<vmem>>
    %dma_start3A_121 = tpu.memref_squeeze %dma_start3A_120 : memref<1x128xi32, #tpu.memory_space<vmem>> -> memref<128xi32, #tpu.memory_space<vmem>>
    %dma_start3A_122 = arith.constant 0 : i32
    %dma_start3A_123 = arith.constant 0 : i32
    %dma_start3A_124 = tpu.memref_slice %arg2[%dma_start3A_122, %dma_start3A_123] : memref<507904x128xf32, #tpu.memory_space<hbm>> -> memref<507904x128xf32, #tpu.memory_space<hbm>>
    tpu.enqueue_indirect_dma source(%dma_start3A_124 : memref<507904x128xf32, #tpu.memory_space<hbm>>) target(%dma_start3A_118 : memref<128x128xf32, #tpu.memory_space<vmem>>) offsets(%dma_start3A_121 : memref<128xi32, #tpu.memory_space<vmem>>) semaphore(%arg16 : memref<!tpu.dma_semaphore, #tpu.memory_space<semaphore_mem>>)
    %dma_start3A_125 = arith.constant 2 : i32
    %dma_start3A_126 = arith.constant 0 : i32
    %dma_start3A_127 = arith.constant 0 : i32
    %dma_start3A_128 = arith.constant 0 : i32
    %dma_start3A_129 = tpu.memref_slice %arg14[%dma_start3A_126, %dma_start3A_127, %dma_start3A_128] : memref<2x128x128xf32, #tpu.memory_space<vmem>> -> memref<1x128x128xf32, #tpu.memory_space<vmem>>
    %dma_start3A_130 = tpu.memref_squeeze %dma_start3A_129 : memref<1x128x128xf32, #tpu.memory_space<vmem>> -> memref<128x128xf32, #tpu.memory_space<vmem>>
    %dma_start3A_131 = arith.constant 0 : i32
    %dma_start3A_132 = tpu.memref_slice %arg12[%dma_start3A_125, %dma_start3A_131] : memref<4x128xi32, #tpu.memory_space<vmem>> -> memref<1x128xi32, #tpu.memory_space<vmem>>
    %dma_start3A_133 = tpu.memref_squeeze %dma_start3A_132 : memref<1x128xi32, #tpu.memory_space<vmem>> -> memref<128xi32, #tpu.memory_space<vmem>>
    %dma_start3A_134 = arith.constant 0 : i32
    %dma_start3A_135 = arith.constant 0 : i32
    %dma_start3A_136 = tpu.memref_slice %arg2[%dma_start3A_134, %dma_start3A_135] : memref<507904x128xf32, #tpu.memory_space<hbm>> -> memref<507904x128xf32, #tpu.memory_space<hbm>>
    tpu.enqueue_indirect_dma source(%dma_start3A_136 : memref<507904x128xf32, #tpu.memory_space<hbm>>) target(%dma_start3A_130 : memref<128x128xf32, #tpu.memory_space<vmem>>) offsets(%dma_start3A_133 : memref<128xi32, #tpu.memory_space<vmem>>) semaphore(%arg16 : memref<!tpu.dma_semaphore, #tpu.memory_space<semaphore_mem>>)
    %dma_start3A_137 = arith.constant 2 : i32
    %dma_start3A_138 = arith.constant 0 : i32
    %dma_start3A_139 = arith.constant 0 : i32
    %dma_start3A_140 = arith.constant 0 : i32
    %dma_start3A_141 = tpu.memref_slice %arg15[%dma_start3A_138, %dma_start3A_139, %dma_start3A_140] : memref<2x128x128xf32, #tpu.memory_space<vmem>> -> memref<1x128x128xf32, #tpu.memory_space<vmem>>
    %dma_start3A_142 = tpu.memref_squeeze %dma_start3A_141 : memref<1x128x128xf32, #tpu.memory_space<vmem>> -> memref<128x128xf32, #tpu.memory_space<vmem>>
    %dma_start3A_143 = arith.constant 0 : i32
    %dma_start3A_144 = tpu.memref_slice %arg11[%dma_start3A_137, %dma_start3A_143] : memref<4x128xi32, #tpu.memory_space<vmem>> -> memref<1x128xi32, #tpu.memory_space<vmem>>
    %dma_start3A_145 = tpu.memref_squeeze %dma_start3A_144 : memref<1x128xi32, #tpu.memory_space<vmem>> -> memref<128xi32, #tpu.memory_space<vmem>>
    %dma_start3A_146 = arith.constant 0 : i32
    %dma_start3A_147 = arith.constant 0 : i32
    %dma_start3A_148 = tpu.memref_slice %arg3[%dma_start3A_146, %dma_start3A_147] : memref<253952x128xf32, #tpu.memory_space<hbm>> -> memref<253952x128xf32, #tpu.memory_space<hbm>>
    tpu.enqueue_indirect_dma source(%dma_start3A_148 : memref<253952x128xf32, #tpu.memory_space<hbm>>) target(%dma_start3A_142 : memref<128x128xf32, #tpu.memory_space<vmem>>) offsets(%dma_start3A_145 : memref<128xi32, #tpu.memory_space<vmem>>) semaphore(%arg16 : memref<!tpu.dma_semaphore, #tpu.memory_space<semaphore_mem>>)
    %dma_wait3A_149 = arith.constant 1 : i32
    %dma_wait3A_150 = arith.constant 1 : i32
    %dma_wait3A_151 = arith.constant 0 : i32
    %dma_wait3A_152 = arith.constant 0 : i32
    %dma_wait3A_153 = tpu.memref_slice %arg13[%dma_wait3A_150, %dma_wait3A_151, %dma_wait3A_152] : memref<2x128x128xf32, #tpu.memory_space<vmem>> -> memref<1x128x128xf32, #tpu.memory_space<vmem>>
    %dma_wait3A_154 = tpu.memref_squeeze %dma_wait3A_153 : memref<1x128x128xf32, #tpu.memory_space<vmem>> -> memref<128x128xf32, #tpu.memory_space<vmem>>
    %dma_wait3A_155 = arith.constant 0 : i32
    %dma_wait3A_156 = tpu.memref_slice %arg10[%dma_wait3A_149, %dma_wait3A_155] : memref<4x128xi32, #tpu.memory_space<vmem>> -> memref<1x128xi32, #tpu.memory_space<vmem>>
    %dma_wait3A_157 = tpu.memref_squeeze %dma_wait3A_156 : memref<1x128xi32, #tpu.memory_space<vmem>> -> memref<128xi32, #tpu.memory_space<vmem>>
    %dma_wait3A_158 = arith.constant 0 : i32
    %dma_wait3A_159 = arith.constant 0 : i32
    %dma_wait3A_160 = tpu.memref_slice %arg2[%dma_wait3A_158, %dma_wait3A_159] : memref<507904x128xf32, #tpu.memory_space<hbm>> -> memref<507904x128xf32, #tpu.memory_space<hbm>>
    tpu.wait_indirect_dma semaphore(%arg17 : memref<!tpu.dma_semaphore, #tpu.memory_space<semaphore_mem>>) src(%dma_wait3A_160 : memref<507904x128xf32, #tpu.memory_space<hbm>>) dst(%dma_wait3A_154 : memref<128x128xf32, #tpu.memory_space<vmem>>)
    %dma_wait3A_161 = arith.constant 1 : i32
    %dma_wait3A_162 = arith.constant 1 : i32
    %dma_wait3A_163 = arith.constant 0 : i32
    %dma_wait3A_164 = arith.constant 0 : i32
    %dma_wait3A_165 = tpu.memref_slice %arg14[%dma_wait3A_162, %dma_wait3A_163, %dma_wait3A_164] : memref<2x128x128xf32, #tpu.memory_space<vmem>> -> memref<1x128x128xf32, #tpu.memory_space<vmem>>
    %dma_wait3A_166 = tpu.memref_squeeze %dma_wait3A_165 : memref<1x128x128xf32, #tpu.memory_space<vmem>> -> memref<128x128xf32, #tpu.memory_space<vmem>>
    %dma_wait3A_167 = arith.constant 0 : i32
    %dma_wait3A_168 = tpu.memref_slice %arg12[%dma_wait3A_161, %dma_wait3A_167] : memref<4x128xi32, #tpu.memory_space<vmem>> -> memref<1x128xi32, #tpu.memory_space<vmem>>
    %dma_wait3A_169 = tpu.memref_squeeze %dma_wait3A_168 : memref<1x128xi32, #tpu.memory_space<vmem>> -> memref<128xi32, #tpu.memory_space<vmem>>
    %dma_wait3A_170 = arith.constant 0 : i32
    %dma_wait3A_171 = arith.constant 0 : i32
    %dma_wait3A_172 = tpu.memref_slice %arg2[%dma_wait3A_170, %dma_wait3A_171] : memref<507904x128xf32, #tpu.memory_space<hbm>> -> memref<507904x128xf32, #tpu.memory_space<hbm>>
    tpu.wait_indirect_dma semaphore(%arg17 : memref<!tpu.dma_semaphore, #tpu.memory_space<semaphore_mem>>) src(%dma_wait3A_172 : memref<507904x128xf32, #tpu.memory_space<hbm>>) dst(%dma_wait3A_166 : memref<128x128xf32, #tpu.memory_space<vmem>>)
    %dma_wait3A_173 = arith.constant 1 : i32
    %dma_wait3A_174 = arith.constant 1 : i32
    %dma_wait3A_175 = arith.constant 0 : i32
    %dma_wait3A_176 = arith.constant 0 : i32
    %dma_wait3A_177 = tpu.memref_slice %arg15[%dma_wait3A_174, %dma_wait3A_175, %dma_wait3A_176] : memref<2x128x128xf32, #tpu.memory_space<vmem>> -> memref<1x128x128xf32, #tpu.memory_space<vmem>>
    %dma_wait3A_178 = tpu.memref_squeeze %dma_wait3A_177 : memref<1x128x128xf32, #tpu.memory_space<vmem>> -> memref<128x128xf32, #tpu.memory_space<vmem>>
    %dma_wait3A_179 = arith.constant 0 : i32
    %dma_wait3A_180 = tpu.memref_slice %arg11[%dma_wait3A_173, %dma_wait3A_179] : memref<4x128xi32, #tpu.memory_space<vmem>> -> memref<1x128xi32, #tpu.memory_space<vmem>>
    %dma_wait3A_181 = tpu.memref_squeeze %dma_wait3A_180 : memref<1x128xi32, #tpu.memory_space<vmem>> -> memref<128xi32, #tpu.memory_space<vmem>>
    %dma_wait3A_182 = arith.constant 0 : i32
    %dma_wait3A_183 = arith.constant 0 : i32
    %dma_wait3A_184 = tpu.memref_slice %arg3[%dma_wait3A_182, %dma_wait3A_183] : memref<253952x128xf32, #tpu.memory_space<hbm>> -> memref<253952x128xf32, #tpu.memory_space<hbm>>
    tpu.wait_indirect_dma semaphore(%arg17 : memref<!tpu.dma_semaphore, #tpu.memory_space<semaphore_mem>>) src(%dma_wait3A_184 : memref<253952x128xf32, #tpu.memory_space<hbm>>) dst(%dma_wait3A_178 : memref<128x128xf32, #tpu.memory_space<vmem>>)
    %add3A_185 = arith.constant 128 : i32
    %add3A_186 = arith.addi %mul3A_2, %add3A_185 : i32
    %run_scoped3A_187 = arith.constant 1 : i32
    "tpu.region"() ({
      %run_scoped3A_308 = tpu.sem_alloc : memref<!tpu.dma_semaphore, #tpu.memory_space<semaphore_mem>>
      %dma_start3A_309 = arith.constant 0 : i32
      %dma_start3A_310 = arith.constant 0 : i32
      %dma_start3A_311 = tpu.memref_slice %arg13[%run_scoped3A_187, %dma_start3A_309, %dma_start3A_310] : memref<2x128x128xf32, #tpu.memory_space<vmem>> -> memref<1x128x128xf32, #tpu.memory_space<vmem>>
      %dma_start3A_312 = tpu.memref_squeeze %dma_start3A_311 : memref<1x128x128xf32, #tpu.memory_space<vmem>> -> memref<128x128xf32, #tpu.memory_space<vmem>>
      %dma_start3A_313 = arith.constant 0 : i32
      %dma_start3A_314 = tpu.memref_slice %arg7[%add3A_186, %dma_start3A_313] : memref<16384x128xf32, #tpu.memory_space<hbm>> -> memref<128x128xf32, #tpu.memory_space<hbm>>
      %dma_start3A_315 = arith.constant 0 : i32
      %dma_start3A_316 = tpu.memref_slice %arg7[%add3A_186, %dma_start3A_315] : memref<16384x128xf32, #tpu.memory_space<hbm>> -> memref<128x128xf32, #tpu.memory_space<hbm>>
      %dma_start3A_317 = arith.constant 0 : i32
      %dma_start3A_318 = arith.constant 0 : i32
      %dma_start3A_319 = tpu.memref_slice %arg13[%run_scoped3A_187, %dma_start3A_317, %dma_start3A_318] : memref<2x128x128xf32, #tpu.memory_space<vmem>> -> memref<1x128x128xf32, #tpu.memory_space<vmem>>
      %dma_start3A_320 = tpu.memref_squeeze %dma_start3A_319 : memref<1x128x128xf32, #tpu.memory_space<vmem>> -> memref<128x128xf32, #tpu.memory_space<vmem>>
      tpu.enqueue_dma source(%dma_start3A_320 : memref<128x128xf32, #tpu.memory_space<vmem>>) target(%dma_start3A_316 : memref<128x128xf32, #tpu.memory_space<hbm>>) target_semaphore(%run_scoped3A_308 : memref<!tpu.dma_semaphore, #tpu.memory_space<semaphore_mem>>)
      %dma_wait3A_321 = arith.constant 0 : i32
      %dma_wait3A_322 = arith.constant 0 : i32
      %dma_wait3A_323 = tpu.memref_slice %arg13[%run_scoped3A_187, %dma_wait3A_321, %dma_wait3A_322] : memref<2x128x128xf32, #tpu.memory_space<vmem>> -> memref<1x128x128xf32, #tpu.memory_space<vmem>>
      %dma_wait3A_324 = tpu.memref_squeeze %dma_wait3A_323 : memref<1x128x128xf32, #tpu.memory_space<vmem>> -> memref<128x128xf32, #tpu.memory_space<vmem>>
      %dma_wait3A_325 = arith.constant 0 : i32
      %dma_wait3A_326 = tpu.memref_slice %arg7[%add3A_186, %dma_wait3A_325] : memref<16384x128xf32, #tpu.memory_space<hbm>> -> memref<128x128xf32, #tpu.memory_space<hbm>>
      %dma_wait3A_327 = arith.constant 0 : i32
      %dma_wait3A_328 = tpu.memref_slice %arg7[%add3A_186, %dma_wait3A_327] : memref<16384x128xf32, #tpu.memory_space<hbm>> -> memref<128x128xf32, #tpu.memory_space<hbm>>
      %dma_wait3A_329 = arith.constant 0 : i32
      %dma_wait3A_330 = arith.constant 0 : i32
      %dma_wait3A_331 = tpu.memref_slice %arg13[%run_scoped3A_187, %dma_wait3A_329, %dma_wait3A_330] : memref<2x128x128xf32, #tpu.memory_space<vmem>> -> memref<1x128x128xf32, #tpu.memory_space<vmem>>
      %dma_wait3A_332 = tpu.memref_squeeze %dma_wait3A_331 : memref<1x128x128xf32, #tpu.memory_space<vmem>> -> memref<128x128xf32, #tpu.memory_space<vmem>>
      tpu.wait_dma2 semaphore(%run_scoped3A_308 : memref<!tpu.dma_semaphore, #tpu.memory_space<semaphore_mem>>) src(%dma_wait3A_332 : memref<128x128xf32, #tpu.memory_space<vmem>>) dst(%dma_wait3A_328 : memref<128x128xf32, #tpu.memory_space<hbm>>)
      tpu.yield
    }) : () -> ()
    %run_scoped3A_188 = arith.constant 1 : i32
    "tpu.region"() ({
      %run_scoped3A_308 = tpu.sem_alloc : memref<!tpu.dma_semaphore, #tpu.memory_space<semaphore_mem>>
      %dma_start3A_309 = arith.constant 0 : i32
      %dma_start3A_310 = arith.constant 0 : i32
      %dma_start3A_311 = tpu.memref_slice %arg14[%run_scoped3A_188, %dma_start3A_309, %dma_start3A_310] : memref<2x128x128xf32, #tpu.memory_space<vmem>> -> memref<1x128x128xf32, #tpu.memory_space<vmem>>
      %dma_start3A_312 = tpu.memref_squeeze %dma_start3A_311 : memref<1x128x128xf32, #tpu.memory_space<vmem>> -> memref<128x128xf32, #tpu.memory_space<vmem>>
      %dma_start3A_313 = arith.constant 0 : i32
      %dma_start3A_314 = tpu.memref_slice %arg8[%add3A_186, %dma_start3A_313] : memref<16384x128xf32, #tpu.memory_space<hbm>> -> memref<128x128xf32, #tpu.memory_space<hbm>>
      %dma_start3A_315 = arith.constant 0 : i32
      %dma_start3A_316 = tpu.memref_slice %arg8[%add3A_186, %dma_start3A_315] : memref<16384x128xf32, #tpu.memory_space<hbm>> -> memref<128x128xf32, #tpu.memory_space<hbm>>
      %dma_start3A_317 = arith.constant 0 : i32
      %dma_start3A_318 = arith.constant 0 : i32
      %dma_start3A_319 = tpu.memref_slice %arg14[%run_scoped3A_188, %dma_start3A_317, %dma_start3A_318] : memref<2x128x128xf32, #tpu.memory_space<vmem>> -> memref<1x128x128xf32, #tpu.memory_space<vmem>>
      %dma_start3A_320 = tpu.memref_squeeze %dma_start3A_319 : memref<1x128x128xf32, #tpu.memory_space<vmem>> -> memref<128x128xf32, #tpu.memory_space<vmem>>
      tpu.enqueue_dma source(%dma_start3A_320 : memref<128x128xf32, #tpu.memory_space<vmem>>) target(%dma_start3A_316 : memref<128x128xf32, #tpu.memory_space<hbm>>) target_semaphore(%run_scoped3A_308 : memref<!tpu.dma_semaphore, #tpu.memory_space<semaphore_mem>>)
      %dma_wait3A_321 = arith.constant 0 : i32
      %dma_wait3A_322 = arith.constant 0 : i32
      %dma_wait3A_323 = tpu.memref_slice %arg14[%run_scoped3A_188, %dma_wait3A_321, %dma_wait3A_322] : memref<2x128x128xf32, #tpu.memory_space<vmem>> -> memref<1x128x128xf32, #tpu.memory_space<vmem>>
      %dma_wait3A_324 = tpu.memref_squeeze %dma_wait3A_323 : memref<1x128x128xf32, #tpu.memory_space<vmem>> -> memref<128x128xf32, #tpu.memory_space<vmem>>
      %dma_wait3A_325 = arith.constant 0 : i32
      %dma_wait3A_326 = tpu.memref_slice %arg8[%add3A_186, %dma_wait3A_325] : memref<16384x128xf32, #tpu.memory_space<hbm>> -> memref<128x128xf32, #tpu.memory_space<hbm>>
      %dma_wait3A_327 = arith.constant 0 : i32
      %dma_wait3A_328 = tpu.memref_slice %arg8[%add3A_186, %dma_wait3A_327] : memref<16384x128xf32, #tpu.memory_space<hbm>> -> memref<128x128xf32, #tpu.memory_space<hbm>>
      %dma_wait3A_329 = arith.constant 0 : i32
      %dma_wait3A_330 = arith.constant 0 : i32
      %dma_wait3A_331 = tpu.memref_slice %arg14[%run_scoped3A_188, %dma_wait3A_329, %dma_wait3A_330] : memref<2x128x128xf32, #tpu.memory_space<vmem>> -> memref<1x128x128xf32, #tpu.memory_space<vmem>>
      %dma_wait3A_332 = tpu.memref_squeeze %dma_wait3A_331 : memref<1x128x128xf32, #tpu.memory_space<vmem>> -> memref<128x128xf32, #tpu.memory_space<vmem>>
      tpu.wait_dma2 semaphore(%run_scoped3A_308 : memref<!tpu.dma_semaphore, #tpu.memory_space<semaphore_mem>>) src(%dma_wait3A_332 : memref<128x128xf32, #tpu.memory_space<vmem>>) dst(%dma_wait3A_328 : memref<128x128xf32, #tpu.memory_space<hbm>>)
      tpu.yield
    }) : () -> ()
    %run_scoped3A_189 = arith.constant 1 : i32
    "tpu.region"() ({
      %run_scoped3A_308 = tpu.sem_alloc : memref<!tpu.dma_semaphore, #tpu.memory_space<semaphore_mem>>
      %dma_start3A_309 = arith.constant 0 : i32
      %dma_start3A_310 = arith.constant 0 : i32
      %dma_start3A_311 = tpu.memref_slice %arg15[%run_scoped3A_189, %dma_start3A_309, %dma_start3A_310] : memref<2x128x128xf32, #tpu.memory_space<vmem>> -> memref<1x128x128xf32, #tpu.memory_space<vmem>>
      %dma_start3A_312 = tpu.memref_squeeze %dma_start3A_311 : memref<1x128x128xf32, #tpu.memory_space<vmem>> -> memref<128x128xf32, #tpu.memory_space<vmem>>
      %dma_start3A_313 = arith.constant 0 : i32
      %dma_start3A_314 = tpu.memref_slice %arg9[%add3A_186, %dma_start3A_313] : memref<16384x128xf32, #tpu.memory_space<hbm>> -> memref<128x128xf32, #tpu.memory_space<hbm>>
      %dma_start3A_315 = arith.constant 0 : i32
      %dma_start3A_316 = tpu.memref_slice %arg9[%add3A_186, %dma_start3A_315] : memref<16384x128xf32, #tpu.memory_space<hbm>> -> memref<128x128xf32, #tpu.memory_space<hbm>>
      %dma_start3A_317 = arith.constant 0 : i32
      %dma_start3A_318 = arith.constant 0 : i32
      %dma_start3A_319 = tpu.memref_slice %arg15[%run_scoped3A_189, %dma_start3A_317, %dma_start3A_318] : memref<2x128x128xf32, #tpu.memory_space<vmem>> -> memref<1x128x128xf32, #tpu.memory_space<vmem>>
      %dma_start3A_320 = tpu.memref_squeeze %dma_start3A_319 : memref<1x128x128xf32, #tpu.memory_space<vmem>> -> memref<128x128xf32, #tpu.memory_space<vmem>>
      tpu.enqueue_dma source(%dma_start3A_320 : memref<128x128xf32, #tpu.memory_space<vmem>>) target(%dma_start3A_316 : memref<128x128xf32, #tpu.memory_space<hbm>>) target_semaphore(%run_scoped3A_308 : memref<!tpu.dma_semaphore, #tpu.memory_space<semaphore_mem>>)
      %dma_wait3A_321 = arith.constant 0 : i32
      %dma_wait3A_322 = arith.constant 0 : i32
      %dma_wait3A_323 = tpu.memref_slice %arg15[%run_scoped3A_189, %dma_wait3A_321, %dma_wait3A_322] : memref<2x128x128xf32, #tpu.memory_space<vmem>> -> memref<1x128x128xf32, #tpu.memory_space<vmem>>
      %dma_wait3A_324 = tpu.memref_squeeze %dma_wait3A_323 : memref<1x128x128xf32, #tpu.memory_space<vmem>> -> memref<128x128xf32, #tpu.memory_space<vmem>>
      %dma_wait3A_325 = arith.constant 0 : i32
      %dma_wait3A_326 = tpu.memref_slice %arg9[%add3A_186, %dma_wait3A_325] : memref<16384x128xf32, #tpu.memory_space<hbm>> -> memref<128x128xf32, #tpu.memory_space<hbm>>
      %dma_wait3A_327 = arith.constant 0 : i32
      %dma_wait3A_328 = tpu.memref_slice %arg9[%add3A_186, %dma_wait3A_327] : memref<16384x128xf32, #tpu.memory_space<hbm>> -> memref<128x128xf32, #tpu.memory_space<hbm>>
      %dma_wait3A_329 = arith.constant 0 : i32
      %dma_wait3A_330 = arith.constant 0 : i32
      %dma_wait3A_331 = tpu.memref_slice %arg15[%run_scoped3A_189, %dma_wait3A_329, %dma_wait3A_330] : memref<2x128x128xf32, #tpu.memory_space<vmem>> -> memref<1x128x128xf32, #tpu.memory_space<vmem>>
      %dma_wait3A_332 = tpu.memref_squeeze %dma_wait3A_331 : memref<1x128x128xf32, #tpu.memory_space<vmem>> -> memref<128x128xf32, #tpu.memory_space<vmem>>
      tpu.wait_dma2 semaphore(%run_scoped3A_308 : memref<!tpu.dma_semaphore, #tpu.memory_space<semaphore_mem>>) src(%dma_wait3A_332 : memref<128x128xf32, #tpu.memory_space<vmem>>) dst(%dma_wait3A_328 : memref<128x128xf32, #tpu.memory_space<hbm>>)
      tpu.yield
    }) : () -> ()
    %dma_start3A_190 = arith.constant 3 : i32
    %dma_start3A_191 = arith.constant 1 : i32
    %dma_start3A_192 = arith.constant 0 : i32
    %dma_start3A_193 = arith.constant 0 : i32
    %dma_start3A_194 = tpu.memref_slice %arg13[%dma_start3A_191, %dma_start3A_192, %dma_start3A_193] : memref<2x128x128xf32, #tpu.memory_space<vmem>> -> memref<1x128x128xf32, #tpu.memory_space<vmem>>
    %dma_start3A_195 = tpu.memref_squeeze %dma_start3A_194 : memref<1x128x128xf32, #tpu.memory_space<vmem>> -> memref<128x128xf32, #tpu.memory_space<vmem>>
    %dma_start3A_196 = arith.constant 0 : i32
    %dma_start3A_197 = tpu.memref_slice %arg10[%dma_start3A_190, %dma_start3A_196] : memref<4x128xi32, #tpu.memory_space<vmem>> -> memref<1x128xi32, #tpu.memory_space<vmem>>
    %dma_start3A_198 = tpu.memref_squeeze %dma_start3A_197 : memref<1x128xi32, #tpu.memory_space<vmem>> -> memref<128xi32, #tpu.memory_space<vmem>>
    %dma_start3A_199 = arith.constant 0 : i32
    %dma_start3A_200 = arith.constant 0 : i32
    %dma_start3A_201 = tpu.memref_slice %arg2[%dma_start3A_199, %dma_start3A_200] : memref<507904x128xf32, #tpu.memory_space<hbm>> -> memref<507904x128xf32, #tpu.memory_space<hbm>>
    tpu.enqueue_indirect_dma source(%dma_start3A_201 : memref<507904x128xf32, #tpu.memory_space<hbm>>) target(%dma_start3A_195 : memref<128x128xf32, #tpu.memory_space<vmem>>) offsets(%dma_start3A_198 : memref<128xi32, #tpu.memory_space<vmem>>) semaphore(%arg17 : memref<!tpu.dma_semaphore, #tpu.memory_space<semaphore_mem>>)
    %dma_start3A_202 = arith.constant 3 : i32
    %dma_start3A_203 = arith.constant 1 : i32
    %dma_start3A_204 = arith.constant 0 : i32
    %dma_start3A_205 = arith.constant 0 : i32
    %dma_start3A_206 = tpu.memref_slice %arg14[%dma_start3A_203, %dma_start3A_204, %dma_start3A_205] : memref<2x128x128xf32, #tpu.memory_space<vmem>> -> memref<1x128x128xf32, #tpu.memory_space<vmem>>
    %dma_start3A_207 = tpu.memref_squeeze %dma_start3A_206 : memref<1x128x128xf32, #tpu.memory_space<vmem>> -> memref<128x128xf32, #tpu.memory_space<vmem>>
    %dma_start3A_208 = arith.constant 0 : i32
    %dma_start3A_209 = tpu.memref_slice %arg12[%dma_start3A_202, %dma_start3A_208] : memref<4x128xi32, #tpu.memory_space<vmem>> -> memref<1x128xi32, #tpu.memory_space<vmem>>
    %dma_start3A_210 = tpu.memref_squeeze %dma_start3A_209 : memref<1x128xi32, #tpu.memory_space<vmem>> -> memref<128xi32, #tpu.memory_space<vmem>>
    %dma_start3A_211 = arith.constant 0 : i32
    %dma_start3A_212 = arith.constant 0 : i32
    %dma_start3A_213 = tpu.memref_slice %arg2[%dma_start3A_211, %dma_start3A_212] : memref<507904x128xf32, #tpu.memory_space<hbm>> -> memref<507904x128xf32, #tpu.memory_space<hbm>>
    tpu.enqueue_indirect_dma source(%dma_start3A_213 : memref<507904x128xf32, #tpu.memory_space<hbm>>) target(%dma_start3A_207 : memref<128x128xf32, #tpu.memory_space<vmem>>) offsets(%dma_start3A_210 : memref<128xi32, #tpu.memory_space<vmem>>) semaphore(%arg17 : memref<!tpu.dma_semaphore, #tpu.memory_space<semaphore_mem>>)
    %dma_start3A_214 = arith.constant 3 : i32
    %dma_start3A_215 = arith.constant 1 : i32
    %dma_start3A_216 = arith.constant 0 : i32
    %dma_start3A_217 = arith.constant 0 : i32
    %dma_start3A_218 = tpu.memref_slice %arg15[%dma_start3A_215, %dma_start3A_216, %dma_start3A_217] : memref<2x128x128xf32, #tpu.memory_space<vmem>> -> memref<1x128x128xf32, #tpu.memory_space<vmem>>
    %dma_start3A_219 = tpu.memref_squeeze %dma_start3A_218 : memref<1x128x128xf32, #tpu.memory_space<vmem>> -> memref<128x128xf32, #tpu.memory_space<vmem>>
    %dma_start3A_220 = arith.constant 0 : i32
    %dma_start3A_221 = tpu.memref_slice %arg11[%dma_start3A_214, %dma_start3A_220] : memref<4x128xi32, #tpu.memory_space<vmem>> -> memref<1x128xi32, #tpu.memory_space<vmem>>
    %dma_start3A_222 = tpu.memref_squeeze %dma_start3A_221 : memref<1x128xi32, #tpu.memory_space<vmem>> -> memref<128xi32, #tpu.memory_space<vmem>>
    %dma_start3A_223 = arith.constant 0 : i32
    %dma_start3A_224 = arith.constant 0 : i32
    %dma_start3A_225 = tpu.memref_slice %arg3[%dma_start3A_223, %dma_start3A_224] : memref<253952x128xf32, #tpu.memory_space<hbm>> -> memref<253952x128xf32, #tpu.memory_space<hbm>>
    tpu.enqueue_indirect_dma source(%dma_start3A_225 : memref<253952x128xf32, #tpu.memory_space<hbm>>) target(%dma_start3A_219 : memref<128x128xf32, #tpu.memory_space<vmem>>) offsets(%dma_start3A_222 : memref<128xi32, #tpu.memory_space<vmem>>) semaphore(%arg17 : memref<!tpu.dma_semaphore, #tpu.memory_space<semaphore_mem>>)
    %dma_wait3A_226 = arith.constant 2 : i32
    %dma_wait3A_227 = arith.constant 0 : i32
    %dma_wait3A_228 = arith.constant 0 : i32
    %dma_wait3A_229 = arith.constant 0 : i32
    %dma_wait3A_230 = tpu.memref_slice %arg13[%dma_wait3A_227, %dma_wait3A_228, %dma_wait3A_229] : memref<2x128x128xf32, #tpu.memory_space<vmem>> -> memref<1x128x128xf32, #tpu.memory_space<vmem>>
    %dma_wait3A_231 = tpu.memref_squeeze %dma_wait3A_230 : memref<1x128x128xf32, #tpu.memory_space<vmem>> -> memref<128x128xf32, #tpu.memory_space<vmem>>
    %dma_wait3A_232 = arith.constant 0 : i32
    %dma_wait3A_233 = tpu.memref_slice %arg10[%dma_wait3A_226, %dma_wait3A_232] : memref<4x128xi32, #tpu.memory_space<vmem>> -> memref<1x128xi32, #tpu.memory_space<vmem>>
    %dma_wait3A_234 = tpu.memref_squeeze %dma_wait3A_233 : memref<1x128xi32, #tpu.memory_space<vmem>> -> memref<128xi32, #tpu.memory_space<vmem>>
    %dma_wait3A_235 = arith.constant 0 : i32
    %dma_wait3A_236 = arith.constant 0 : i32
    %dma_wait3A_237 = tpu.memref_slice %arg2[%dma_wait3A_235, %dma_wait3A_236] : memref<507904x128xf32, #tpu.memory_space<hbm>> -> memref<507904x128xf32, #tpu.memory_space<hbm>>
    tpu.wait_indirect_dma semaphore(%arg16 : memref<!tpu.dma_semaphore, #tpu.memory_space<semaphore_mem>>) src(%dma_wait3A_237 : memref<507904x128xf32, #tpu.memory_space<hbm>>) dst(%dma_wait3A_231 : memref<128x128xf32, #tpu.memory_space<vmem>>)
    %dma_wait3A_238 = arith.constant 2 : i32
    %dma_wait3A_239 = arith.constant 0 : i32
    %dma_wait3A_240 = arith.constant 0 : i32
    %dma_wait3A_241 = arith.constant 0 : i32
    %dma_wait3A_242 = tpu.memref_slice %arg14[%dma_wait3A_239, %dma_wait3A_240, %dma_wait3A_241] : memref<2x128x128xf32, #tpu.memory_space<vmem>> -> memref<1x128x128xf32, #tpu.memory_space<vmem>>
    %dma_wait3A_243 = tpu.memref_squeeze %dma_wait3A_242 : memref<1x128x128xf32, #tpu.memory_space<vmem>> -> memref<128x128xf32, #tpu.memory_space<vmem>>
    %dma_wait3A_244 = arith.constant 0 : i32
    %dma_wait3A_245 = tpu.memref_slice %arg12[%dma_wait3A_238, %dma_wait3A_244] : memref<4x128xi32, #tpu.memory_space<vmem>> -> memref<1x128xi32, #tpu.memory_space<vmem>>
    %dma_wait3A_246 = tpu.memref_squeeze %dma_wait3A_245 : memref<1x128xi32, #tpu.memory_space<vmem>> -> memref<128xi32, #tpu.memory_space<vmem>>
    %dma_wait3A_247 = arith.constant 0 : i32
    %dma_wait3A_248 = arith.constant 0 : i32
    %dma_wait3A_249 = tpu.memref_slice %arg2[%dma_wait3A_247, %dma_wait3A_248] : memref<507904x128xf32, #tpu.memory_space<hbm>> -> memref<507904x128xf32, #tpu.memory_space<hbm>>
    tpu.wait_indirect_dma semaphore(%arg16 : memref<!tpu.dma_semaphore, #tpu.memory_space<semaphore_mem>>) src(%dma_wait3A_249 : memref<507904x128xf32, #tpu.memory_space<hbm>>) dst(%dma_wait3A_243 : memref<128x128xf32, #tpu.memory_space<vmem>>)
    %dma_wait3A_250 = arith.constant 2 : i32
    %dma_wait3A_251 = arith.constant 0 : i32
    %dma_wait3A_252 = arith.constant 0 : i32
    %dma_wait3A_253 = arith.constant 0 : i32
    %dma_wait3A_254 = tpu.memref_slice %arg15[%dma_wait3A_251, %dma_wait3A_252, %dma_wait3A_253] : memref<2x128x128xf32, #tpu.memory_space<vmem>> -> memref<1x128x128xf32, #tpu.memory_space<vmem>>
    %dma_wait3A_255 = tpu.memref_squeeze %dma_wait3A_254 : memref<1x128x128xf32, #tpu.memory_space<vmem>> -> memref<128x128xf32, #tpu.memory_space<vmem>>
    %dma_wait3A_256 = arith.constant 0 : i32
    %dma_wait3A_257 = tpu.memref_slice %arg11[%dma_wait3A_250, %dma_wait3A_256] : memref<4x128xi32, #tpu.memory_space<vmem>> -> memref<1x128xi32, #tpu.memory_space<vmem>>
    %dma_wait3A_258 = tpu.memref_squeeze %dma_wait3A_257 : memref<1x128xi32, #tpu.memory_space<vmem>> -> memref<128xi32, #tpu.memory_space<vmem>>
    %dma_wait3A_259 = arith.constant 0 : i32
    %dma_wait3A_260 = arith.constant 0 : i32
    %dma_wait3A_261 = tpu.memref_slice %arg3[%dma_wait3A_259, %dma_wait3A_260] : memref<253952x128xf32, #tpu.memory_space<hbm>> -> memref<253952x128xf32, #tpu.memory_space<hbm>>
    tpu.wait_indirect_dma semaphore(%arg16 : memref<!tpu.dma_semaphore, #tpu.memory_space<semaphore_mem>>) src(%dma_wait3A_261 : memref<253952x128xf32, #tpu.memory_space<hbm>>) dst(%dma_wait3A_255 : memref<128x128xf32, #tpu.memory_space<vmem>>)
    %add3A_262 = arith.constant 256 : i32
    %add3A_263 = arith.addi %mul3A_2, %add3A_262 : i32
    %run_scoped3A_264 = arith.constant 0 : i32
    "tpu.region"() ({
      %run_scoped3A_308 = tpu.sem_alloc : memref<!tpu.dma_semaphore, #tpu.memory_space<semaphore_mem>>
      %dma_start3A_309 = arith.constant 0 : i32
      %dma_start3A_310 = arith.constant 0 : i32
      %dma_start3A_311 = tpu.memref_slice %arg13[%run_scoped3A_264, %dma_start3A_309, %dma_start3A_310] : memref<2x128x128xf32, #tpu.memory_space<vmem>> -> memref<1x128x128xf32, #tpu.memory_space<vmem>>
      %dma_start3A_312 = tpu.memref_squeeze %dma_start3A_311 : memref<1x128x128xf32, #tpu.memory_space<vmem>> -> memref<128x128xf32, #tpu.memory_space<vmem>>
      %dma_start3A_313 = arith.constant 0 : i32
      %dma_start3A_314 = tpu.memref_slice %arg7[%add3A_263, %dma_start3A_313] : memref<16384x128xf32, #tpu.memory_space<hbm>> -> memref<128x128xf32, #tpu.memory_space<hbm>>
      %dma_start3A_315 = arith.constant 0 : i32
      %dma_start3A_316 = tpu.memref_slice %arg7[%add3A_263, %dma_start3A_315] : memref<16384x128xf32, #tpu.memory_space<hbm>> -> memref<128x128xf32, #tpu.memory_space<hbm>>
      %dma_start3A_317 = arith.constant 0 : i32
      %dma_start3A_318 = arith.constant 0 : i32
      %dma_start3A_319 = tpu.memref_slice %arg13[%run_scoped3A_264, %dma_start3A_317, %dma_start3A_318] : memref<2x128x128xf32, #tpu.memory_space<vmem>> -> memref<1x128x128xf32, #tpu.memory_space<vmem>>
      %dma_start3A_320 = tpu.memref_squeeze %dma_start3A_319 : memref<1x128x128xf32, #tpu.memory_space<vmem>> -> memref<128x128xf32, #tpu.memory_space<vmem>>
      tpu.enqueue_dma source(%dma_start3A_320 : memref<128x128xf32, #tpu.memory_space<vmem>>) target(%dma_start3A_316 : memref<128x128xf32, #tpu.memory_space<hbm>>) target_semaphore(%run_scoped3A_308 : memref<!tpu.dma_semaphore, #tpu.memory_space<semaphore_mem>>)
      %dma_wait3A_321 = arith.constant 0 : i32
      %dma_wait3A_322 = arith.constant 0 : i32
      %dma_wait3A_323 = tpu.memref_slice %arg13[%run_scoped3A_264, %dma_wait3A_321, %dma_wait3A_322] : memref<2x128x128xf32, #tpu.memory_space<vmem>> -> memref<1x128x128xf32, #tpu.memory_space<vmem>>
      %dma_wait3A_324 = tpu.memref_squeeze %dma_wait3A_323 : memref<1x128x128xf32, #tpu.memory_space<vmem>> -> memref<128x128xf32, #tpu.memory_space<vmem>>
      %dma_wait3A_325 = arith.constant 0 : i32
      %dma_wait3A_326 = tpu.memref_slice %arg7[%add3A_263, %dma_wait3A_325] : memref<16384x128xf32, #tpu.memory_space<hbm>> -> memref<128x128xf32, #tpu.memory_space<hbm>>
      %dma_wait3A_327 = arith.constant 0 : i32
      %dma_wait3A_328 = tpu.memref_slice %arg7[%add3A_263, %dma_wait3A_327] : memref<16384x128xf32, #tpu.memory_space<hbm>> -> memref<128x128xf32, #tpu.memory_space<hbm>>
      %dma_wait3A_329 = arith.constant 0 : i32
      %dma_wait3A_330 = arith.constant 0 : i32
      %dma_wait3A_331 = tpu.memref_slice %arg13[%run_scoped3A_264, %dma_wait3A_329, %dma_wait3A_330] : memref<2x128x128xf32, #tpu.memory_space<vmem>> -> memref<1x128x128xf32, #tpu.memory_space<vmem>>
      %dma_wait3A_332 = tpu.memref_squeeze %dma_wait3A_331 : memref<1x128x128xf32, #tpu.memory_space<vmem>> -> memref<128x128xf32, #tpu.memory_space<vmem>>
      tpu.wait_dma2 semaphore(%run_scoped3A_308 : memref<!tpu.dma_semaphore, #tpu.memory_space<semaphore_mem>>) src(%dma_wait3A_332 : memref<128x128xf32, #tpu.memory_space<vmem>>) dst(%dma_wait3A_328 : memref<128x128xf32, #tpu.memory_space<hbm>>)
      tpu.yield
    }) : () -> ()
    %run_scoped3A_265 = arith.constant 0 : i32
    "tpu.region"() ({
      %run_scoped3A_308 = tpu.sem_alloc : memref<!tpu.dma_semaphore, #tpu.memory_space<semaphore_mem>>
      %dma_start3A_309 = arith.constant 0 : i32
      %dma_start3A_310 = arith.constant 0 : i32
      %dma_start3A_311 = tpu.memref_slice %arg14[%run_scoped3A_265, %dma_start3A_309, %dma_start3A_310] : memref<2x128x128xf32, #tpu.memory_space<vmem>> -> memref<1x128x128xf32, #tpu.memory_space<vmem>>
      %dma_start3A_312 = tpu.memref_squeeze %dma_start3A_311 : memref<1x128x128xf32, #tpu.memory_space<vmem>> -> memref<128x128xf32, #tpu.memory_space<vmem>>
      %dma_start3A_313 = arith.constant 0 : i32
      %dma_start3A_314 = tpu.memref_slice %arg8[%add3A_263, %dma_start3A_313] : memref<16384x128xf32, #tpu.memory_space<hbm>> -> memref<128x128xf32, #tpu.memory_space<hbm>>
      %dma_start3A_315 = arith.constant 0 : i32
      %dma_start3A_316 = tpu.memref_slice %arg8[%add3A_263, %dma_start3A_315] : memref<16384x128xf32, #tpu.memory_space<hbm>> -> memref<128x128xf32, #tpu.memory_space<hbm>>
      %dma_start3A_317 = arith.constant 0 : i32
      %dma_start3A_318 = arith.constant 0 : i32
      %dma_start3A_319 = tpu.memref_slice %arg14[%run_scoped3A_265, %dma_start3A_317, %dma_start3A_318] : memref<2x128x128xf32, #tpu.memory_space<vmem>> -> memref<1x128x128xf32, #tpu.memory_space<vmem>>
      %dma_start3A_320 = tpu.memref_squeeze %dma_start3A_319 : memref<1x128x128xf32, #tpu.memory_space<vmem>> -> memref<128x128xf32, #tpu.memory_space<vmem>>
      tpu.enqueue_dma source(%dma_start3A_320 : memref<128x128xf32, #tpu.memory_space<vmem>>) target(%dma_start3A_316 : memref<128x128xf32, #tpu.memory_space<hbm>>) target_semaphore(%run_scoped3A_308 : memref<!tpu.dma_semaphore, #tpu.memory_space<semaphore_mem>>)
      %dma_wait3A_321 = arith.constant 0 : i32
      %dma_wait3A_322 = arith.constant 0 : i32
      %dma_wait3A_323 = tpu.memref_slice %arg14[%run_scoped3A_265, %dma_wait3A_321, %dma_wait3A_322] : memref<2x128x128xf32, #tpu.memory_space<vmem>> -> memref<1x128x128xf32, #tpu.memory_space<vmem>>
      %dma_wait3A_324 = tpu.memref_squeeze %dma_wait3A_323 : memref<1x128x128xf32, #tpu.memory_space<vmem>> -> memref<128x128xf32, #tpu.memory_space<vmem>>
      %dma_wait3A_325 = arith.constant 0 : i32
      %dma_wait3A_326 = tpu.memref_slice %arg8[%add3A_263, %dma_wait3A_325] : memref<16384x128xf32, #tpu.memory_space<hbm>> -> memref<128x128xf32, #tpu.memory_space<hbm>>
      %dma_wait3A_327 = arith.constant 0 : i32
      %dma_wait3A_328 = tpu.memref_slice %arg8[%add3A_263, %dma_wait3A_327] : memref<16384x128xf32, #tpu.memory_space<hbm>> -> memref<128x128xf32, #tpu.memory_space<hbm>>
      %dma_wait3A_329 = arith.constant 0 : i32
      %dma_wait3A_330 = arith.constant 0 : i32
      %dma_wait3A_331 = tpu.memref_slice %arg14[%run_scoped3A_265, %dma_wait3A_329, %dma_wait3A_330] : memref<2x128x128xf32, #tpu.memory_space<vmem>> -> memref<1x128x128xf32, #tpu.memory_space<vmem>>
      %dma_wait3A_332 = tpu.memref_squeeze %dma_wait3A_331 : memref<1x128x128xf32, #tpu.memory_space<vmem>> -> memref<128x128xf32, #tpu.memory_space<vmem>>
      tpu.wait_dma2 semaphore(%run_scoped3A_308 : memref<!tpu.dma_semaphore, #tpu.memory_space<semaphore_mem>>) src(%dma_wait3A_332 : memref<128x128xf32, #tpu.memory_space<vmem>>) dst(%dma_wait3A_328 : memref<128x128xf32, #tpu.memory_space<hbm>>)
      tpu.yield
    }) : () -> ()
    %run_scoped3A_266 = arith.constant 0 : i32
    "tpu.region"() ({
      %run_scoped3A_308 = tpu.sem_alloc : memref<!tpu.dma_semaphore, #tpu.memory_space<semaphore_mem>>
      %dma_start3A_309 = arith.constant 0 : i32
      %dma_start3A_310 = arith.constant 0 : i32
      %dma_start3A_311 = tpu.memref_slice %arg15[%run_scoped3A_266, %dma_start3A_309, %dma_start3A_310] : memref<2x128x128xf32, #tpu.memory_space<vmem>> -> memref<1x128x128xf32, #tpu.memory_space<vmem>>
      %dma_start3A_312 = tpu.memref_squeeze %dma_start3A_311 : memref<1x128x128xf32, #tpu.memory_space<vmem>> -> memref<128x128xf32, #tpu.memory_space<vmem>>
      %dma_start3A_313 = arith.constant 0 : i32
      %dma_start3A_314 = tpu.memref_slice %arg9[%add3A_263, %dma_start3A_313] : memref<16384x128xf32, #tpu.memory_space<hbm>> -> memref<128x128xf32, #tpu.memory_space<hbm>>
      %dma_start3A_315 = arith.constant 0 : i32
      %dma_start3A_316 = tpu.memref_slice %arg9[%add3A_263, %dma_start3A_315] : memref<16384x128xf32, #tpu.memory_space<hbm>> -> memref<128x128xf32, #tpu.memory_space<hbm>>
      %dma_start3A_317 = arith.constant 0 : i32
      %dma_start3A_318 = arith.constant 0 : i32
      %dma_start3A_319 = tpu.memref_slice %arg15[%run_scoped3A_266, %dma_start3A_317, %dma_start3A_318] : memref<2x128x128xf32, #tpu.memory_space<vmem>> -> memref<1x128x128xf32, #tpu.memory_space<vmem>>
      %dma_start3A_320 = tpu.memref_squeeze %dma_start3A_319 : memref<1x128x128xf32, #tpu.memory_space<vmem>> -> memref<128x128xf32, #tpu.memory_space<vmem>>
      tpu.enqueue_dma source(%dma_start3A_320 : memref<128x128xf32, #tpu.memory_space<vmem>>) target(%dma_start3A_316 : memref<128x128xf32, #tpu.memory_space<hbm>>) target_semaphore(%run_scoped3A_308 : memref<!tpu.dma_semaphore, #tpu.memory_space<semaphore_mem>>)
      %dma_wait3A_321 = arith.constant 0 : i32
      %dma_wait3A_322 = arith.constant 0 : i32
      %dma_wait3A_323 = tpu.memref_slice %arg15[%run_scoped3A_266, %dma_wait3A_321, %dma_wait3A_322] : memref<2x128x128xf32, #tpu.memory_space<vmem>> -> memref<1x128x128xf32, #tpu.memory_space<vmem>>
      %dma_wait3A_324 = tpu.memref_squeeze %dma_wait3A_323 : memref<1x128x128xf32, #tpu.memory_space<vmem>> -> memref<128x128xf32, #tpu.memory_space<vmem>>
      %dma_wait3A_325 = arith.constant 0 : i32
      %dma_wait3A_326 = tpu.memref_slice %arg9[%add3A_263, %dma_wait3A_325] : memref<16384x128xf32, #tpu.memory_space<hbm>> -> memref<128x128xf32, #tpu.memory_space<hbm>>
      %dma_wait3A_327 = arith.constant 0 : i32
      %dma_wait3A_328 = tpu.memref_slice %arg9[%add3A_263, %dma_wait3A_327] : memref<16384x128xf32, #tpu.memory_space<hbm>> -> memref<128x128xf32, #tpu.memory_space<hbm>>
      %dma_wait3A_329 = arith.constant 0 : i32
      %dma_wait3A_330 = arith.constant 0 : i32
      %dma_wait3A_331 = tpu.memref_slice %arg15[%run_scoped3A_266, %dma_wait3A_329, %dma_wait3A_330] : memref<2x128x128xf32, #tpu.memory_space<vmem>> -> memref<1x128x128xf32, #tpu.memory_space<vmem>>
      %dma_wait3A_332 = tpu.memref_squeeze %dma_wait3A_331 : memref<1x128x128xf32, #tpu.memory_space<vmem>> -> memref<128x128xf32, #tpu.memory_space<vmem>>
      tpu.wait_dma2 semaphore(%run_scoped3A_308 : memref<!tpu.dma_semaphore, #tpu.memory_space<semaphore_mem>>) src(%dma_wait3A_332 : memref<128x128xf32, #tpu.memory_space<vmem>>) dst(%dma_wait3A_328 : memref<128x128xf32, #tpu.memory_space<hbm>>)
      tpu.yield
    }) : () -> ()
    %dma_wait3A_267 = arith.constant 3 : i32
    %dma_wait3A_268 = arith.constant 1 : i32
    %dma_wait3A_269 = arith.constant 0 : i32
    %dma_wait3A_270 = arith.constant 0 : i32
    %dma_wait3A_271 = tpu.memref_slice %arg13[%dma_wait3A_268, %dma_wait3A_269, %dma_wait3A_270] : memref<2x128x128xf32, #tpu.memory_space<vmem>> -> memref<1x128x128xf32, #tpu.memory_space<vmem>>
    %dma_wait3A_272 = tpu.memref_squeeze %dma_wait3A_271 : memref<1x128x128xf32, #tpu.memory_space<vmem>> -> memref<128x128xf32, #tpu.memory_space<vmem>>
    %dma_wait3A_273 = arith.constant 0 : i32
    %dma_wait3A_274 = tpu.memref_slice %arg10[%dma_wait3A_267, %dma_wait3A_273] : memref<4x128xi32, #tpu.memory_space<vmem>> -> memref<1x128xi32, #tpu.memory_space<vmem>>
    %dma_wait3A_275 = tpu.memref_squeeze %dma_wait3A_274 : memref<1x128xi32, #tpu.memory_space<vmem>> -> memref<128xi32, #tpu.memory_space<vmem>>
    %dma_wait3A_276 = arith.constant 0 : i32
    %dma_wait3A_277 = arith.constant 0 : i32
    %dma_wait3A_278 = tpu.memref_slice %arg2[%dma_wait3A_276, %dma_wait3A_277] : memref<507904x128xf32, #tpu.memory_space<hbm>> -> memref<507904x128xf32, #tpu.memory_space<hbm>>
    tpu.wait_indirect_dma semaphore(%arg17 : memref<!tpu.dma_semaphore, #tpu.memory_space<semaphore_mem>>) src(%dma_wait3A_278 : memref<507904x128xf32, #tpu.memory_space<hbm>>) dst(%dma_wait3A_272 : memref<128x128xf32, #tpu.memory_space<vmem>>)
    %dma_wait3A_279 = arith.constant 3 : i32
    %dma_wait3A_280 = arith.constant 1 : i32
    %dma_wait3A_281 = arith.constant 0 : i32
    %dma_wait3A_282 = arith.constant 0 : i32
    %dma_wait3A_283 = tpu.memref_slice %arg14[%dma_wait3A_280, %dma_wait3A_281, %dma_wait3A_282] : memref<2x128x128xf32, #tpu.memory_space<vmem>> -> memref<1x128x128xf32, #tpu.memory_space<vmem>>
    %dma_wait3A_284 = tpu.memref_squeeze %dma_wait3A_283 : memref<1x128x128xf32, #tpu.memory_space<vmem>> -> memref<128x128xf32, #tpu.memory_space<vmem>>
    %dma_wait3A_285 = arith.constant 0 : i32
    %dma_wait3A_286 = tpu.memref_slice %arg12[%dma_wait3A_279, %dma_wait3A_285] : memref<4x128xi32, #tpu.memory_space<vmem>> -> memref<1x128xi32, #tpu.memory_space<vmem>>
    %dma_wait3A_287 = tpu.memref_squeeze %dma_wait3A_286 : memref<1x128xi32, #tpu.memory_space<vmem>> -> memref<128xi32, #tpu.memory_space<vmem>>
    %dma_wait3A_288 = arith.constant 0 : i32
    %dma_wait3A_289 = arith.constant 0 : i32
    %dma_wait3A_290 = tpu.memref_slice %arg2[%dma_wait3A_288, %dma_wait3A_289] : memref<507904x128xf32, #tpu.memory_space<hbm>> -> memref<507904x128xf32, #tpu.memory_space<hbm>>
    tpu.wait_indirect_dma semaphore(%arg17 : memref<!tpu.dma_semaphore, #tpu.memory_space<semaphore_mem>>) src(%dma_wait3A_290 : memref<507904x128xf32, #tpu.memory_space<hbm>>) dst(%dma_wait3A_284 : memref<128x128xf32, #tpu.memory_space<vmem>>)
    %dma_wait3A_291 = arith.constant 3 : i32
    %dma_wait3A_292 = arith.constant 1 : i32
    %dma_wait3A_293 = arith.constant 0 : i32
    %dma_wait3A_294 = arith.constant 0 : i32
    %dma_wait3A_295 = tpu.memref_slice %arg15[%dma_wait3A_292, %dma_wait3A_293, %dma_wait3A_294] : memref<2x128x128xf32, #tpu.memory_space<vmem>> -> memref<1x128x128xf32, #tpu.memory_space<vmem>>
    %dma_wait3A_296 = tpu.memref_squeeze %dma_wait3A_295 : memref<1x128x128xf32, #tpu.memory_space<vmem>> -> memref<128x128xf32, #tpu.memory_space<vmem>>
    %dma_wait3A_297 = arith.constant 0 : i32
    %dma_wait3A_298 = tpu.memref_slice %arg11[%dma_wait3A_291, %dma_wait3A_297] : memref<4x128xi32, #tpu.memory_space<vmem>> -> memref<1x128xi32, #tpu.memory_space<vmem>>
    %dma_wait3A_299 = tpu.memref_squeeze %dma_wait3A_298 : memref<1x128xi32, #tpu.memory_space<vmem>> -> memref<128xi32, #tpu.memory_space<vmem>>
    %dma_wait3A_300 = arith.constant 0 : i32
    %dma_wait3A_301 = arith.constant 0 : i32
    %dma_wait3A_302 = tpu.memref_slice %arg3[%dma_wait3A_300, %dma_wait3A_301] : memref<253952x128xf32, #tpu.memory_space<hbm>> -> memref<253952x128xf32, #tpu.memory_space<hbm>>
    tpu.wait_indirect_dma semaphore(%arg17 : memref<!tpu.dma_semaphore, #tpu.memory_space<semaphore_mem>>) src(%dma_wait3A_302 : memref<253952x128xf32, #tpu.memory_space<hbm>>) dst(%dma_wait3A_296 : memref<128x128xf32, #tpu.memory_space<vmem>>)
    %add3A_303 = arith.constant 384 : i32
    %add3A_304 = arith.addi %mul3A_2, %add3A_303 : i32
    %run_scoped3A_305 = arith.constant 1 : i32
    "tpu.region"() ({
      %run_scoped3A_308 = tpu.sem_alloc : memref<!tpu.dma_semaphore, #tpu.memory_space<semaphore_mem>>
      %dma_start3A_309 = arith.constant 0 : i32
      %dma_start3A_310 = arith.constant 0 : i32
      %dma_start3A_311 = tpu.memref_slice %arg13[%run_scoped3A_305, %dma_start3A_309, %dma_start3A_310] : memref<2x128x128xf32, #tpu.memory_space<vmem>> -> memref<1x128x128xf32, #tpu.memory_space<vmem>>
      %dma_start3A_312 = tpu.memref_squeeze %dma_start3A_311 : memref<1x128x128xf32, #tpu.memory_space<vmem>> -> memref<128x128xf32, #tpu.memory_space<vmem>>
      %dma_start3A_313 = arith.constant 0 : i32
      %dma_start3A_314 = tpu.memref_slice %arg7[%add3A_304, %dma_start3A_313] : memref<16384x128xf32, #tpu.memory_space<hbm>> -> memref<128x128xf32, #tpu.memory_space<hbm>>
      %dma_start3A_315 = arith.constant 0 : i32
      %dma_start3A_316 = tpu.memref_slice %arg7[%add3A_304, %dma_start3A_315] : memref<16384x128xf32, #tpu.memory_space<hbm>> -> memref<128x128xf32, #tpu.memory_space<hbm>>
      %dma_start3A_317 = arith.constant 0 : i32
      %dma_start3A_318 = arith.constant 0 : i32
      %dma_start3A_319 = tpu.memref_slice %arg13[%run_scoped3A_305, %dma_start3A_317, %dma_start3A_318] : memref<2x128x128xf32, #tpu.memory_space<vmem>> -> memref<1x128x128xf32, #tpu.memory_space<vmem>>
      %dma_start3A_320 = tpu.memref_squeeze %dma_start3A_319 : memref<1x128x128xf32, #tpu.memory_space<vmem>> -> memref<128x128xf32, #tpu.memory_space<vmem>>
      tpu.enqueue_dma source(%dma_start3A_320 : memref<128x128xf32, #tpu.memory_space<vmem>>) target(%dma_start3A_316 : memref<128x128xf32, #tpu.memory_space<hbm>>) target_semaphore(%run_scoped3A_308 : memref<!tpu.dma_semaphore, #tpu.memory_space<semaphore_mem>>)
      %dma_wait3A_321 = arith.constant 0 : i32
      %dma_wait3A_322 = arith.constant 0 : i32
      %dma_wait3A_323 = tpu.memref_slice %arg13[%run_scoped3A_305, %dma_wait3A_321, %dma_wait3A_322] : memref<2x128x128xf32, #tpu.memory_space<vmem>> -> memref<1x128x128xf32, #tpu.memory_space<vmem>>
      %dma_wait3A_324 = tpu.memref_squeeze %dma_wait3A_323 : memref<1x128x128xf32, #tpu.memory_space<vmem>> -> memref<128x128xf32, #tpu.memory_space<vmem>>
      %dma_wait3A_325 = arith.constant 0 : i32
      %dma_wait3A_326 = tpu.memref_slice %arg7[%add3A_304, %dma_wait3A_325] : memref<16384x128xf32, #tpu.memory_space<hbm>> -> memref<128x128xf32, #tpu.memory_space<hbm>>
      %dma_wait3A_327 = arith.constant 0 : i32
      %dma_wait3A_328 = tpu.memref_slice %arg7[%add3A_304, %dma_wait3A_327] : memref<16384x128xf32, #tpu.memory_space<hbm>> -> memref<128x128xf32, #tpu.memory_space<hbm>>
      %dma_wait3A_329 = arith.constant 0 : i32
      %dma_wait3A_330 = arith.constant 0 : i32
      %dma_wait3A_331 = tpu.memref_slice %arg13[%run_scoped3A_305, %dma_wait3A_329, %dma_wait3A_330] : memref<2x128x128xf32, #tpu.memory_space<vmem>> -> memref<1x128x128xf32, #tpu.memory_space<vmem>>
      %dma_wait3A_332 = tpu.memref_squeeze %dma_wait3A_331 : memref<1x128x128xf32, #tpu.memory_space<vmem>> -> memref<128x128xf32, #tpu.memory_space<vmem>>
      tpu.wait_dma2 semaphore(%run_scoped3A_308 : memref<!tpu.dma_semaphore, #tpu.memory_space<semaphore_mem>>) src(%dma_wait3A_332 : memref<128x128xf32, #tpu.memory_space<vmem>>) dst(%dma_wait3A_328 : memref<128x128xf32, #tpu.memory_space<hbm>>)
      tpu.yield
    }) : () -> ()
    %run_scoped3A_306 = arith.constant 1 : i32
    "tpu.region"() ({
      %run_scoped3A_308 = tpu.sem_alloc : memref<!tpu.dma_semaphore, #tpu.memory_space<semaphore_mem>>
      %dma_start3A_309 = arith.constant 0 : i32
      %dma_start3A_310 = arith.constant 0 : i32
      %dma_start3A_311 = tpu.memref_slice %arg14[%run_scoped3A_306, %dma_start3A_309, %dma_start3A_310] : memref<2x128x128xf32, #tpu.memory_space<vmem>> -> memref<1x128x128xf32, #tpu.memory_space<vmem>>
      %dma_start3A_312 = tpu.memref_squeeze %dma_start3A_311 : memref<1x128x128xf32, #tpu.memory_space<vmem>> -> memref<128x128xf32, #tpu.memory_space<vmem>>
      %dma_start3A_313 = arith.constant 0 : i32
      %dma_start3A_314 = tpu.memref_slice %arg8[%add3A_304, %dma_start3A_313] : memref<16384x128xf32, #tpu.memory_space<hbm>> -> memref<128x128xf32, #tpu.memory_space<hbm>>
      %dma_start3A_315 = arith.constant 0 : i32
      %dma_start3A_316 = tpu.memref_slice %arg8[%add3A_304, %dma_start3A_315] : memref<16384x128xf32, #tpu.memory_space<hbm>> -> memref<128x128xf32, #tpu.memory_space<hbm>>
      %dma_start3A_317 = arith.constant 0 : i32
      %dma_start3A_318 = arith.constant 0 : i32
      %dma_start3A_319 = tpu.memref_slice %arg14[%run_scoped3A_306, %dma_start3A_317, %dma_start3A_318] : memref<2x128x128xf32, #tpu.memory_space<vmem>> -> memref<1x128x128xf32, #tpu.memory_space<vmem>>
      %dma_start3A_320 = tpu.memref_squeeze %dma_start3A_319 : memref<1x128x128xf32, #tpu.memory_space<vmem>> -> memref<128x128xf32, #tpu.memory_space<vmem>>
      tpu.enqueue_dma source(%dma_start3A_320 : memref<128x128xf32, #tpu.memory_space<vmem>>) target(%dma_start3A_316 : memref<128x128xf32, #tpu.memory_space<hbm>>) target_semaphore(%run_scoped3A_308 : memref<!tpu.dma_semaphore, #tpu.memory_space<semaphore_mem>>)
      %dma_wait3A_321 = arith.constant 0 : i32
      %dma_wait3A_322 = arith.constant 0 : i32
      %dma_wait3A_323 = tpu.memref_slice %arg14[%run_scoped3A_306, %dma_wait3A_321, %dma_wait3A_322] : memref<2x128x128xf32, #tpu.memory_space<vmem>> -> memref<1x128x128xf32, #tpu.memory_space<vmem>>
      %dma_wait3A_324 = tpu.memref_squeeze %dma_wait3A_323 : memref<1x128x128xf32, #tpu.memory_space<vmem>> -> memref<128x128xf32, #tpu.memory_space<vmem>>
      %dma_wait3A_325 = arith.constant 0 : i32
      %dma_wait3A_326 = tpu.memref_slice %arg8[%add3A_304, %dma_wait3A_325] : memref<16384x128xf32, #tpu.memory_space<hbm>> -> memref<128x128xf32, #tpu.memory_space<hbm>>
      %dma_wait3A_327 = arith.constant 0 : i32
      %dma_wait3A_328 = tpu.memref_slice %arg8[%add3A_304, %dma_wait3A_327] : memref<16384x128xf32, #tpu.memory_space<hbm>> -> memref<128x128xf32, #tpu.memory_space<hbm>>
      %dma_wait3A_329 = arith.constant 0 : i32
      %dma_wait3A_330 = arith.constant 0 : i32
      %dma_wait3A_331 = tpu.memref_slice %arg14[%run_scoped3A_306, %dma_wait3A_329, %dma_wait3A_330] : memref<2x128x128xf32, #tpu.memory_space<vmem>> -> memref<1x128x128xf32, #tpu.memory_space<vmem>>
      %dma_wait3A_332 = tpu.memref_squeeze %dma_wait3A_331 : memref<1x128x128xf32, #tpu.memory_space<vmem>> -> memref<128x128xf32, #tpu.memory_space<vmem>>
      tpu.wait_dma2 semaphore(%run_scoped3A_308 : memref<!tpu.dma_semaphore, #tpu.memory_space<semaphore_mem>>) src(%dma_wait3A_332 : memref<128x128xf32, #tpu.memory_space<vmem>>) dst(%dma_wait3A_328 : memref<128x128xf32, #tpu.memory_space<hbm>>)
      tpu.yield
    }) : () -> ()
    %run_scoped3A_307 = arith.constant 1 : i32
    "tpu.region"() ({
      %run_scoped3A_308 = tpu.sem_alloc : memref<!tpu.dma_semaphore, #tpu.memory_space<semaphore_mem>>
      %dma_start3A_309 = arith.constant 0 : i32
      %dma_start3A_310 = arith.constant 0 : i32
      %dma_start3A_311 = tpu.memref_slice %arg15[%run_scoped3A_307, %dma_start3A_309, %dma_start3A_310] : memref<2x128x128xf32, #tpu.memory_space<vmem>> -> memref<1x128x128xf32, #tpu.memory_space<vmem>>
      %dma_start3A_312 = tpu.memref_squeeze %dma_start3A_311 : memref<1x128x128xf32, #tpu.memory_space<vmem>> -> memref<128x128xf32, #tpu.memory_space<vmem>>
      %dma_start3A_313 = arith.constant 0 : i32
      %dma_start3A_314 = tpu.memref_slice %arg9[%add3A_304, %dma_start3A_313] : memref<16384x128xf32, #tpu.memory_space<hbm>> -> memref<128x128xf32, #tpu.memory_space<hbm>>
      %dma_start3A_315 = arith.constant 0 : i32
      %dma_start3A_316 = tpu.memref_slice %arg9[%add3A_304, %dma_start3A_315] : memref<16384x128xf32, #tpu.memory_space<hbm>> -> memref<128x128xf32, #tpu.memory_space<hbm>>
      %dma_start3A_317 = arith.constant 0 : i32
      %dma_start3A_318 = arith.constant 0 : i32
      %dma_start3A_319 = tpu.memref_slice %arg15[%run_scoped3A_307, %dma_start3A_317, %dma_start3A_318] : memref<2x128x128xf32, #tpu.memory_space<vmem>> -> memref<1x128x128xf32, #tpu.memory_space<vmem>>
      %dma_start3A_320 = tpu.memref_squeeze %dma_start3A_319 : memref<1x128x128xf32, #tpu.memory_space<vmem>> -> memref<128x128xf32, #tpu.memory_space<vmem>>
      tpu.enqueue_dma source(%dma_start3A_320 : memref<128x128xf32, #tpu.memory_space<vmem>>) target(%dma_start3A_316 : memref<128x128xf32, #tpu.memory_space<hbm>>) target_semaphore(%run_scoped3A_308 : memref<!tpu.dma_semaphore, #tpu.memory_space<semaphore_mem>>)
      %dma_wait3A_321 = arith.constant 0 : i32
      %dma_wait3A_322 = arith.constant 0 : i32
      %dma_wait3A_323 = tpu.memref_slice %arg15[%run_scoped3A_307, %dma_wait3A_321, %dma_wait3A_322] : memref<2x128x128xf32, #tpu.memory_space<vmem>> -> memref<1x128x128xf32, #tpu.memory_space<vmem>>
      %dma_wait3A_324 = tpu.memref_squeeze %dma_wait3A_323 : memref<1x128x128xf32, #tpu.memory_space<vmem>> -> memref<128x128xf32, #tpu.memory_space<vmem>>
      %dma_wait3A_325 = arith.constant 0 : i32
      %dma_wait3A_326 = tpu.memref_slice %arg9[%add3A_304, %dma_wait3A_325] : memref<16384x128xf32, #tpu.memory_space<hbm>> -> memref<128x128xf32, #tpu.memory_space<hbm>>
      %dma_wait3A_327 = arith.constant 0 : i32
      %dma_wait3A_328 = tpu.memref_slice %arg9[%add3A_304, %dma_wait3A_327] : memref<16384x128xf32, #tpu.memory_space<hbm>> -> memref<128x128xf32, #tpu.memory_space<hbm>>
      %dma_wait3A_329 = arith.constant 0 : i32
      %dma_wait3A_330 = arith.constant 0 : i32
      %dma_wait3A_331 = tpu.memref_slice %arg15[%run_scoped3A_307, %dma_wait3A_329, %dma_wait3A_330] : memref<2x128x128xf32, #tpu.memory_space<vmem>> -> memref<1x128x128xf32, #tpu.memory_space<vmem>>
      %dma_wait3A_332 = tpu.memref_squeeze %dma_wait3A_331 : memref<1x128x128xf32, #tpu.memory_space<vmem>> -> memref<128x128xf32, #tpu.memory_space<vmem>>
      tpu.wait_dma2 semaphore(%run_scoped3A_308 : memref<!tpu.dma_semaphore, #tpu.memory_space<semaphore_mem>>) src(%dma_wait3A_332 : memref<128x128xf32, #tpu.memory_space<vmem>>) dst(%dma_wait3A_328 : memref<128x128xf32, #tpu.memory_space<hbm>>)
      tpu.yield
    }) : () -> ()
    return
  }
}

module attributes {stable_mosaic.version = 14 : i64} {
  func.func @_pack_body(%arg0: i32, %arg1: memref<32x32768xf32, #tpu.memory_space<vmem>>, %arg2: memref<8192x128xf32, #tpu.memory_space<vmem>>) attributes {dimension_semantics = [#tpu.dimension_semantics<arbitrary>], iteration_bounds = array<i64: 31>, scalar_prefetch = 0 : i64, scratch_operands = 0 : i64, tpu.core_type = #tpu.core_type<tc>, window_params = [{transform_indices = @transform_0, window_bounds = array<i64: 32, 32768>}, {transform_indices = @transform_1, window_bounds = array<i64: 8192, 128>}]} {
    %get3A = arith.constant 0 : index
    %get3A_0 = arith.constant 0 : index
    %get3A_1 = vector.load %arg1[%get3A, %get3A_0] : memref<32x32768xf32, #tpu.memory_space<vmem>>, vector<32x32768xf32>
    %slice3A = vector.extract_strided_slice %get3A_1 {offsets = [0, 0], sizes = [32, 8192], strides = [1, 1]} : vector<32x32768xf32> to vector<32x8192xf32>
    %slice3A_2 = vector.extract_strided_slice %get3A_1 {offsets = [0, 8192], sizes = [32, 8192], strides = [1, 1]} : vector<32x32768xf32> to vector<32x8192xf32>
    %slice3A_3 = vector.extract_strided_slice %get3A_1 {offsets = [0, 16384], sizes = [32, 8192], strides = [1, 1]} : vector<32x32768xf32> to vector<32x8192xf32>
    %slice3A_4 = vector.extract_strided_slice %get3A_1 {offsets = [0, 24576], sizes = [32, 8192], strides = [1, 1]} : vector<32x32768xf32> to vector<32x8192xf32>
    %concatenate3A = tpu.concatenate %slice3A, %slice3A_2, %slice3A_3, %slice3A_4 in 0 : vector<32x8192xf32>, vector<32x8192xf32>, vector<32x8192xf32>, vector<32x8192xf32> -> vector<128x8192xf32>
    %transpose3A = tpu.transpose %concatenate3A, [1, 0] : vector<128x8192xf32> -> vector<8192x128xf32>
    %swap3A = arith.constant 0 : index
    %swap3A_5 = arith.constant 0 : index
    %swap3A_6 = vector.load %arg2[%swap3A, %swap3A_5] : memref<8192x128xf32, #tpu.memory_space<vmem>>, vector<8192x128xf32>
    tpu.vector_store %arg2[%swap3A, %swap3A_5], %transpose3A {strides = array<i32>} : memref<8192x128xf32, #tpu.memory_space<vmem>>, vector<8192x128xf32>,
    return
  }
  func.func @transform_0(%arg0: i32) -> (i32, i32) {
    %c0_i32 = arith.constant 0 : i32
    %c0_i32_0 = arith.constant 0 : i32
    return %c0_i32, %arg0 : i32, i32
  }
  func.func @transform_1(%arg0: i32) -> (i32, i32) {
    %c0_i32 = arith.constant 0 : i32
    %c0_i32_0 = arith.constant 0 : i32
    return %arg0, %c0_i32 : i32, i32
  }
}

module attributes {stable_mosaic.version = 14 : i64} {
  func.func @_pack_body(%arg0: i32, %arg1: memref<64x32768xf32, #tpu.memory_space<vmem>>, %arg2: memref<16384x128xf32, #tpu.memory_space<vmem>>) attributes {dimension_semantics = [#tpu.dimension_semantics<arbitrary>], iteration_bounds = array<i64: 31>, scalar_prefetch = 0 : i64, scratch_operands = 0 : i64, tpu.core_type = #tpu.core_type<tc>, window_params = [{transform_indices = @transform_0, window_bounds = array<i64: 64, 32768>}, {transform_indices = @transform_1, window_bounds = array<i64: 16384, 128>}]} {
    %get3A = arith.constant 0 : index
    %get3A_0 = arith.constant 0 : index
    %get3A_1 = vector.load %arg1[%get3A, %get3A_0] : memref<64x32768xf32, #tpu.memory_space<vmem>>, vector<64x32768xf32>
    %slice3A = vector.extract_strided_slice %get3A_1 {offsets = [0, 0], sizes = [64, 16384], strides = [1, 1]} : vector<64x32768xf32> to vector<64x16384xf32>
    %slice3A_2 = vector.extract_strided_slice %get3A_1 {offsets = [0, 16384], sizes = [64, 16384], strides = [1, 1]} : vector<64x32768xf32> to vector<64x16384xf32>
    %concatenate3A = tpu.concatenate %slice3A, %slice3A_2 in 0 : vector<64x16384xf32>, vector<64x16384xf32> -> vector<128x16384xf32>
    %transpose3A = tpu.transpose %concatenate3A, [1, 0] : vector<128x16384xf32> -> vector<16384x128xf32>
    %swap3A = arith.constant 0 : index
    %swap3A_3 = arith.constant 0 : index
    %swap3A_4 = vector.load %arg2[%swap3A, %swap3A_3] : memref<16384x128xf32, #tpu.memory_space<vmem>>, vector<16384x128xf32>
    tpu.vector_store %arg2[%swap3A, %swap3A_3], %transpose3A {strides = array<i32>} : memref<16384x128xf32, #tpu.memory_space<vmem>>, vector<16384x128xf32>,
    return
  }
  func.func @transform_0(%arg0: i32) -> (i32, i32) {
    %c0_i32 = arith.constant 0 : i32
    %c0_i32_0 = arith.constant 0 : i32
    return %c0_i32, %arg0 : i32, i32
  }
  func.func @transform_1(%arg0: i32) -> (i32, i32) {
    %c0_i32 = arith.constant 0 : i32
    %c0_i32_0 = arith.constant 0 : i32
    return %arg0, %c0_i32 : i32, i32
  }
}

module attributes {stable_mosaic.version = 14 : i64} {
  func.func @_score_body(%arg0: i32, %arg1: memref<4096x3xi32, #tpu.memory_space<vmem>>, %arg2: memref<4096x128xf32, #tpu.memory_space<vmem>>, %arg3: memref<4096x128xf32, #tpu.memory_space<vmem>>, %arg4: memref<4096x128xf32, #tpu.memory_space<vmem>>, %arg5: memref<4096x1xf32, #tpu.memory_space<vmem>>) attributes {dimension_semantics = [#tpu.dimension_semantics<arbitrary>], iteration_bounds = array<i64: 4>, scalar_prefetch = 0 : i64, scratch_operands = 0 : i64, tpu.core_type = #tpu.core_type<tc>, window_params = [{transform_indices = @transform_0, window_bounds = array<i64: 4096, 3>}, {transform_indices = @transform_1, window_bounds = array<i64: 4096, 128>}, {transform_indices = @transform_2, window_bounds = array<i64: 4096, 128>}, {transform_indices = @transform_3, window_bounds = array<i64: 4096, 128>}, {transform_indices = @transform_4, window_bounds = array<i64: 4096, 1>}]} {
    %get3A = arith.constant 0 : index
    %get3A_0 = arith.constant 0 : index
    %get3A_1 = vector.load %arg2[%get3A, %get3A_0] : memref<4096x128xf32, #tpu.memory_space<vmem>>, vector<4096x128xf32>
    %get3A_2 = arith.constant 0 : index
    %get3A_3 = arith.constant 0 : index
    %get3A_4 = vector.load %arg3[%get3A_2, %get3A_3] : memref<4096x128xf32, #tpu.memory_space<vmem>>, vector<4096x128xf32>
    %get3A_5 = arith.constant 0 : index
    %get3A_6 = arith.constant 0 : index
    %get3A_7 = vector.load %arg4[%get3A_5, %get3A_6] : memref<4096x128xf32, #tpu.memory_space<vmem>>, vector<4096x128xf32>
    %get3A_8 = arith.constant 0 : index
    %get3A_9 = arith.constant 0 : index
    %get3A_10 = vector.load %arg1[%get3A_8, %get3A_9] : memref<4096x3xi32, #tpu.memory_space<vmem>>, vector<4096x3xi32>
    %slice3A = vector.extract_strided_slice %get3A_10 {offsets = [0, 0], sizes = [4096, 1], strides = [1, 1]} : vector<4096x3xi32> to vector<4096x1xi32>
    %slice3A_11 = vector.extract_strided_slice %get3A_10 {offsets = [0, 1], sizes = [4096, 1], strides = [1, 1]} : vector<4096x3xi32> to vector<4096x1xi32>
    %slice3A_12 = vector.extract_strided_slice %get3A_10 {offsets = [0, 2], sizes = [4096, 1], strides = [1, 1]} : vector<4096x3xi32> to vector<4096x1xi32>
    %eq3A = arith.constant 0 : i32
    %eq3A_13 = vector.broadcast %eq3A : i32 to vector<4096x1xi32>
    %eq3A_14 = arith.cmpi eq, %slice3A, %eq3A_13 : vector<4096x1xi32>
    %slice3A_15 = vector.extract_strided_slice %get3A_1 {offsets = [0, 0], sizes = [4096, 32], strides = [1, 1]} : vector<4096x128xf32> to vector<4096x32xf32>
    %slice3A_16 = vector.extract_strided_slice %get3A_1 {offsets = [0, 64], sizes = [4096, 32], strides = [1, 1]} : vector<4096x128xf32> to vector<4096x32xf32>
    %broadcast_in_dim3A = vector.shape_cast %eq3A_14 : vector<4096x1xi1> to vector<4096x1xi1>
    %broadcast_in_dim3A_17 = vector.broadcast %broadcast_in_dim3A : vector<4096x1xi1> to vector<4096x32xi1>
    %select_n3A = arith.select %broadcast_in_dim3A_17, %slice3A_15, %slice3A_16 : vector<4096x32xi1>, vector<4096x32xf32>
    %eq3A_18 = arith.constant 0 : i32
    %eq3A_19 = vector.broadcast %eq3A_18 : i32 to vector<4096x1xi32>
    %eq3A_20 = arith.cmpi eq, %slice3A, %eq3A_19 : vector<4096x1xi32>
    %slice3A_21 = vector.extract_strided_slice %get3A_1 {offsets = [0, 32], sizes = [4096, 32], strides = [1, 1]} : vector<4096x128xf32> to vector<4096x32xf32>
    %slice3A_22 = vector.extract_strided_slice %get3A_1 {offsets = [0, 96], sizes = [4096, 32], strides = [1, 1]} : vector<4096x128xf32> to vector<4096x32xf32>
    %broadcast_in_dim3A_23 = vector.shape_cast %eq3A_20 : vector<4096x1xi1> to vector<4096x1xi1>
    %broadcast_in_dim3A_24 = vector.broadcast %broadcast_in_dim3A_23 : vector<4096x1xi1> to vector<4096x32xi1>
    %select_n3A_25 = arith.select %broadcast_in_dim3A_24, %slice3A_21, %slice3A_22 : vector<4096x32xi1>, vector<4096x32xf32>
    %eq3A_26 = arith.constant 0 : i32
    %eq3A_27 = vector.broadcast %eq3A_26 : i32 to vector<4096x1xi32>
    %eq3A_28 = arith.cmpi eq, %slice3A_11, %eq3A_27 : vector<4096x1xi32>
    %slice3A_29 = vector.extract_strided_slice %get3A_4 {offsets = [0, 0], sizes = [4096, 32], strides = [1, 1]} : vector<4096x128xf32> to vector<4096x32xf32>
    %slice3A_30 = vector.extract_strided_slice %get3A_4 {offsets = [0, 64], sizes = [4096, 32], strides = [1, 1]} : vector<4096x128xf32> to vector<4096x32xf32>
    %broadcast_in_dim3A_31 = vector.shape_cast %eq3A_28 : vector<4096x1xi1> to vector<4096x1xi1>
    %broadcast_in_dim3A_32 = vector.broadcast %broadcast_in_dim3A_31 : vector<4096x1xi1> to vector<4096x32xi1>
    %select_n3A_33 = arith.select %broadcast_in_dim3A_32, %slice3A_29, %slice3A_30 : vector<4096x32xi1>, vector<4096x32xf32>
    %eq3A_34 = arith.constant 0 : i32
    %eq3A_35 = vector.broadcast %eq3A_34 : i32 to vector<4096x1xi32>
    %eq3A_36 = arith.cmpi eq, %slice3A_11, %eq3A_35 : vector<4096x1xi32>
    %slice3A_37 = vector.extract_strided_slice %get3A_4 {offsets = [0, 32], sizes = [4096, 32], strides = [1, 1]} : vector<4096x128xf32> to vector<4096x32xf32>
    %slice3A_38 = vector.extract_strided_slice %get3A_4 {offsets = [0, 96], sizes = [4096, 32], strides = [1, 1]} : vector<4096x128xf32> to vector<4096x32xf32>
    %broadcast_in_dim3A_39 = vector.shape_cast %eq3A_36 : vector<4096x1xi1> to vector<4096x1xi1>
    %broadcast_in_dim3A_40 = vector.broadcast %broadcast_in_dim3A_39 : vector<4096x1xi1> to vector<4096x32xi1>
    %select_n3A_41 = arith.select %broadcast_in_dim3A_40, %slice3A_37, %slice3A_38 : vector<4096x32xi1>, vector<4096x32xf32>
    %lt3A = arith.constant 2 : i32
    %lt3A_42 = vector.broadcast %lt3A : i32 to vector<4096x1xi32>
    %lt3A_43 = arith.cmpi slt, %slice3A_12, %lt3A_42 : vector<4096x1xi32>
    %eq3A_44 = arith.constant 0 : i32
    %eq3A_45 = vector.broadcast %eq3A_44 : i32 to vector<4096x1xi32>
    %eq3A_46 = arith.cmpi eq, %slice3A_12, %eq3A_45 : vector<4096x1xi32>
    %slice3A_47 = vector.extract_strided_slice %get3A_7 {offsets = [0, 0], sizes = [4096, 32], strides = [1, 1]} : vector<4096x128xf32> to vector<4096x32xf32>
    %slice3A_48 = vector.extract_strided_slice %get3A_7 {offsets = [0, 32], sizes = [4096, 32], strides = [1, 1]} : vector<4096x128xf32> to vector<4096x32xf32>
    %broadcast_in_dim3A_49 = vector.shape_cast %eq3A_46 : vector<4096x1xi1> to vector<4096x1xi1>
    %broadcast_in_dim3A_50 = vector.broadcast %broadcast_in_dim3A_49 : vector<4096x1xi1> to vector<4096x32xi1>
    %select_n3A_51 = arith.select %broadcast_in_dim3A_50, %slice3A_47, %slice3A_48 : vector<4096x32xi1>, vector<4096x32xf32>
    %eq3A_52 = arith.constant 2 : i32
    %eq3A_53 = vector.broadcast %eq3A_52 : i32 to vector<4096x1xi32>
    %eq3A_54 = arith.cmpi eq, %slice3A_12, %eq3A_53 : vector<4096x1xi32>
    %slice3A_55 = vector.extract_strided_slice %get3A_7 {offsets = [0, 64], sizes = [4096, 32], strides = [1, 1]} : vector<4096x128xf32> to vector<4096x32xf32>
    %slice3A_56 = vector.extract_strided_slice %get3A_7 {offsets = [0, 96], sizes = [4096, 32], strides = [1, 1]} : vector<4096x128xf32> to vector<4096x32xf32>
    %broadcast_in_dim3A_57 = vector.shape_cast %eq3A_54 : vector<4096x1xi1> to vector<4096x1xi1>
    %broadcast_in_dim3A_58 = vector.broadcast %broadcast_in_dim3A_57 : vector<4096x1xi1> to vector<4096x32xi1>
    %select_n3A_59 = arith.select %broadcast_in_dim3A_58, %slice3A_55, %slice3A_56 : vector<4096x32xi1>, vector<4096x32xf32>
    %broadcast_in_dim3A_60 = vector.shape_cast %lt3A_43 : vector<4096x1xi1> to vector<4096x1xi1>
    %broadcast_in_dim3A_61 = vector.broadcast %broadcast_in_dim3A_60 : vector<4096x1xi1> to vector<4096x32xi1>
    %select_n3A_62 = arith.select %broadcast_in_dim3A_61, %select_n3A_51, %select_n3A_59 : vector<4096x32xi1>, vector<4096x32xf32>
    %mul3A = arith.constant 14.3615665 : f32
    %mul3A_63 = vector.broadcast %mul3A : f32 to vector<4096x32xf32>
    %mul3A_64 = arith.mulf %select_n3A_62, %mul3A_63 : vector<4096x32xf32>
    %mul3A_65 = arith.mulf %mul3A_64, %mul3A_64 : vector<4096x32xf32>
    %mul3A_66 = arith.constant -9.77491438E-12 : f32
    %mul3A_67 = vector.broadcast %mul3A_66 : f32 to vector<4096x32xf32>
    %mul3A_68 = arith.mulf %mul3A_65, %mul3A_67 : vector<4096x32xf32>
    %add3A = arith.constant 2.06207029E-9 : f32
    %add3A_69 = vector.broadcast %add3A : f32 to vector<4096x32xf32>
    %add3A_70 = arith.addf %add3A_69, %mul3A_68 : vector<4096x32xf32>
    %mul3A_71 = arith.mulf %mul3A_65, %add3A_70 : vector<4096x32xf32>
    %add3A_72 = arith.constant -2.75369871E-7 : f32
    %add3A_73 = vector.broadcast %add3A_72 : f32 to vector<4096x32xf32>
    %add3A_74 = arith.addf %add3A_73, %mul3A_71 : vector<4096x32xf32>
    %mul3A_75 = arith.mulf %mul3A_65, %add3A_74 : vector<4096x32xf32>
    %add3A_76 = arith.constant 2.48006909E-5 : f32
    %add3A_77 = vector.broadcast %add3A_76 : f32 to vector<4096x32xf32>
    %add3A_78 = arith.addf %add3A_77, %mul3A_75 : vector<4096x32xf32>
    %mul3A_79 = arith.mulf %mul3A_65, %add3A_78 : vector<4096x32xf32>
    %add3A_80 = arith.constant -0.00138888671 : f32
    %add3A_81 = vector.broadcast %add3A_80 : f32 to vector<4096x32xf32>
    %add3A_82 = arith.addf %add3A_81, %mul3A_79 : vector<4096x32xf32>
    %mul3A_83 = arith.mulf %mul3A_65, %add3A_82 : vector<4096x32xf32>
    %add3A_84 = arith.constant 0.0416666642 : f32
    %add3A_85 = vector.broadcast %add3A_84 : f32 to vector<4096x32xf32>
    %add3A_86 = arith.addf %add3A_85, %mul3A_83 : vector<4096x32xf32>
    %mul3A_87 = arith.mulf %mul3A_65, %add3A_86 : vector<4096x32xf32>
    %add3A_88 = arith.constant -5.000000e-01 : f32
    %add3A_89 = vector.broadcast %add3A_88 : f32 to vector<4096x32xf32>
    %add3A_90 = arith.addf %add3A_89, %mul3A_87 : vector<4096x32xf32>
    %mul3A_91 = arith.mulf %mul3A_65, %add3A_90 : vector<4096x32xf32>
    %add3A_92 = arith.constant 1.000000e+00 : f32
    %add3A_93 = vector.broadcast %add3A_92 : f32 to vector<4096x32xf32>
    %add3A_94 = arith.addf %add3A_93, %mul3A_91 : vector<4096x32xf32>
    %mul3A_95 = arith.constant 1.36972572E-10 : f32
    %mul3A_96 = vector.broadcast %mul3A_95 : f32 to vector<4096x32xf32>
    %mul3A_97 = arith.mulf %mul3A_65, %mul3A_96 : vector<4096x32xf32>
    %add3A_98 = arith.constant -2.4752115E-8 : f32
    %add3A_99 = vector.broadcast %add3A_98 : f32 to vector<4096x32xf32>
    %add3A_100 = arith.addf %add3A_99, %mul3A_97 : vector<4096x32xf32>
    %mul3A_101 = arith.mulf %mul3A_65, %add3A_100 : vector<4096x32xf32>
    %add3A_102 = arith.constant 2.75382536E-6 : f32
    %add3A_103 = vector.broadcast %add3A_102 : f32 to vector<4096x32xf32>
    %add3A_104 = arith.addf %add3A_103, %mul3A_101 : vector<4096x32xf32>
    %mul3A_105 = arith.mulf %mul3A_65, %add3A_104 : vector<4096x32xf32>
    %add3A_106 = arith.constant -1.98406473E-4 : f32
    %add3A_107 = vector.broadcast %add3A_106 : f32 to vector<4096x32xf32>
    %add3A_108 = arith.addf %add3A_107, %mul3A_105 : vector<4096x32xf32>
    %mul3A_109 = arith.mulf %mul3A_65, %add3A_108 : vector<4096x32xf32>
    %add3A_110 = arith.constant 0.00833332352 : f32
    %add3A_111 = vector.broadcast %add3A_110 : f32 to vector<4096x32xf32>
    %add3A_112 = arith.addf %add3A_111, %mul3A_109 : vector<4096x32xf32>
    %mul3A_113 = arith.mulf %mul3A_65, %add3A_112 : vector<4096x32xf32>
    %add3A_114 = arith.constant -0.166666657 : f32
    %add3A_115 = vector.broadcast %add3A_114 : f32 to vector<4096x32xf32>
    %add3A_116 = arith.addf %add3A_115, %mul3A_113 : vector<4096x32xf32>
    %mul3A_117 = arith.mulf %mul3A_65, %add3A_116 : vector<4096x32xf32>
    %add3A_118 = arith.constant 1.000000e+00 : f32
    %add3A_119 = vector.broadcast %add3A_118 : f32 to vector<4096x32xf32>
    %add3A_120 = arith.addf %add3A_119, %mul3A_117 : vector<4096x32xf32>
    %mul3A_121 = arith.mulf %mul3A_64, %add3A_120 : vector<4096x32xf32>
    %mul3A_122 = arith.mulf %add3A_94, %select_n3A_33 : vector<4096x32xf32>
    %mul3A_123 = arith.mulf %mul3A_121, %select_n3A_41 : vector<4096x32xf32>
    %add3A_124 = arith.addf %mul3A_122, %mul3A_123 : vector<4096x32xf32>
    %sub3A = arith.subf %add3A_124, %select_n3A : vector<4096x32xf32>
    %mul3A_125 = arith.mulf %add3A_94, %select_n3A_41 : vector<4096x32xf32>
    %mul3A_126 = arith.mulf %mul3A_121, %select_n3A_33 : vector<4096x32xf32>
    %sub3A_127 = arith.subf %mul3A_125, %mul3A_126 : vector<4096x32xf32>
    %sub3A_128 = arith.subf %sub3A_127, %select_n3A_25 : vector<4096x32xf32>
    %mul3A_129 = arith.mulf %sub3A, %sub3A : vector<4096x32xf32>
    %mul3A_130 = arith.mulf %sub3A_128, %sub3A_128 : vector<4096x32xf32>
    %add3A_131 = arith.addf %mul3A_129, %mul3A_130 : vector<4096x32xf32>
    %sqrt3A = math.sqrt %add3A_131 : vector<4096x32xf32>
    %reduce_sum3A = arith.constant dense<0.000000e+00> : vector<4096xf32>
    %reduce_sum3A_132 = vector.multi_reduction <add>, %sqrt3A, %reduce_sum3A [1] : vector<4096x32xf32> to vector<4096xf32>
    %broadcast_in_dim3A_133 = vector.shape_cast %reduce_sum3A_132 : vector<4096xf32> to vector<4096x1xf32>
    %swap3A = arith.constant 0 : index
    %swap3A_134 = arith.constant 0 : index
    %swap3A_135 = vector.load %arg5[%swap3A, %swap3A_134] : memref<4096x1xf32, #tpu.memory_space<vmem>>, vector<4096x1xf32>
    tpu.vector_store %arg5[%swap3A, %swap3A_134], %broadcast_in_dim3A_133 {strides = array<i32>} : memref<4096x1xf32, #tpu.memory_space<vmem>>, vector<4096x1xf32>,
    return
  }
  func.func @transform_0(%arg0: i32) -> (i32, i32) {
    %c0_i32 = arith.constant 0 : i32
    %c0_i32_0 = arith.constant 0 : i32
    return %arg0, %c0_i32 : i32, i32
  }
  func.func @transform_1(%arg0: i32) -> (i32, i32) {
    %c0_i32 = arith.constant 0 : i32
    %c0_i32_0 = arith.constant 0 : i32
    return %arg0, %c0_i32 : i32, i32
  }
  func.func @transform_2(%arg0: i32) -> (i32, i32) {
    %c0_i32 = arith.constant 0 : i32
    %c0_i32_0 = arith.constant 0 : i32
    return %arg0, %c0_i32 : i32, i32
  }
  func.func @transform_3(%arg0: i32) -> (i32, i32) {
    %c0_i32 = arith.constant 0 : i32
    %c0_i32_0 = arith.constant 0 : i32
    return %arg0, %c0_i32 : i32, i32
  }
  func.func @transform_4(%arg0: i32) -> (i32, i32) {
    %c0_i32 = arith.constant 0 : i32
    %c0_i32_0 = arith.constant 0 : i32
    return %arg0, %c0_i32 : i32, i32
  }
}

</mosaic_0001>

<sc_bundles>
// kernel: kernel.6.cloned.1.call-start
scs
__scs_entry_jumppad:
0x0: {  	(pc) =	sbr.rel $0x88, $3  }
0x1: {  	(tag) =	ssettag $0x0;
	lr =	simm.s32 $0x1  }
0x2: {  	[smem:$0x3F9E] =	sst lr;
	_ =	strace $0xD0000000  }
0x3: {  	_ = 	snop  }
0x4: {  	_ = 	snop  }
0x5: {  	_ = 	snop  }
0x6: {  	_ = 	snop  }
0x7: {  	_ = 	snop  }
__scs_overlays_trampoline_lowered:
0x8: {  	[smem:$0x3FAD] =	sst s0  }
0x9: {  	[smem:$0x3FAE] =	sst s1  }
0xa: {  	[smem:$0x3FAF] =	sst s2  }
0xb: {  	[smem:$0x3FB0] =	sst s3  }
0xc: {  	[smem:$0x3FB1] =	sst s4  }
0xd: {  	[smem:$0x3FB2] =	sst s5  }
0xe: {  	[smem:$0x3FB3] =	sst s6  }
0xf: {  	[smem:$0x3FB4] =	sst s7  }
0x10: {  	[smem:$0x3FB5] =	sst s8  }
0x11: {  	[smem:$0x3FB6] =	sst s9;
	s0 =	simm.s32 @!p0 $0x0  }
0x12: {  	s1 =	sld [smem:$0x3F9C];
	s0 =	simm.s32 @p0 $0x1  }
0x13: {  	[smem:$0x3FB7] =	sst s0;
	s0 =	simm.s32 @!p1 $0x0  }
0x14: {  	s2 =	sld [smem:$0x3F9B];
	s0 =	simm.s32 @p1 $0x1  }
0x15: {  	[smem:$0x3FB8] =	sst s0;
	s0 =	simm.s32 @!p2 $0x0  }
0x16: {  	s3 =	sld [smem:$0x3FDB];
	s0 =	simm.s32 @p2 $0x1  }
0x17: {  	s4 =	simm.s32 $0x1BF5;
	[smem:$0x3FBA] =	sst s0  }
0x18: {  	s0 =	sld [smem:$0x3F9D];
	_ =	swait.ge [sflag:s4], $0x0  }
0x19: {  	s7 =	sld [smem:$0x3F9E]  }
0x1a: {  	s8 =	sadd.s32 $0xFFFFE003, lr  }
0x1b: {  	s9 =	sadd.s32 $0xFFFFFEF7, lr;
	s5 =	simm.s32 $0xFFFFFFFF;
	p2 =	slt.u32 s8, $0xFFFFF086  }
0x1c: {  	p1 =	slt.u32 s9, $0xF7A;
	s5 =	simm.s32 @!p2 $0x0  }
0x1d: {  	s5 =	simm.s32 @p1 $0x1;
	p0 =	seq.s32 s7, s2  }
0x1e: {  	s7 =	smul.u32 @!p0 $0xF7A, s2;
	p2 =	seq.s32 @!p0 s5, $0x0  }
0x1f: {  	s9 =	smul.u32 $0xF7A, s1;
	s8 =	simm.s32 @!p0 $0x1BF5;
	p2 =	por !p2, p0  }
0x20: {  	[sflag:s8] =	ssyncset.s32 @!p0 $0xFFFFF086;
	s6 =	sadd.s32 @!p0 s3, s7;
	s7 =	simm.s32 @!p0 $0x108  }
0x21: {  	s3 =	sadd.s32 s3, s9;
	s6 =	sadd.s32 @!p0 $0x88, s6;
	s7 =	simm.s32 @p2 $0x1082  }
0x22: {  	[simem:s7], [sflag:s8] =	dma.local @!p0 [hbm:s6], $0xF7A  }
0x23: {  	s9 =	sor.u32 $0xD0000000, s2;
	s6 =	simm.s32 $0x108;
	_ =	swait.ge @!p0 [sflag:s8], $0x0  }
0x24: {  	s3 =	sadd.s32 $0x88, s3;
	s6 =	simm.s32 @!p1 $0x1082;
	[sflag:s4] =	ssyncset.s32 $0xFFFFF086  }
0x25: {  	[simem:s6], [sflag:s4] =	dma.local [hbm:s3], $0xF7A  }
0x26: {  	[smem:$0x3F9E] =	sst s1;
	(tag) =	ssettag s2;
	_ =	strace s9  }
0x27: {  	s1 =	sld [smem:$0x3FAE]  }
0x28: {  	s2 =	sld [smem:$0x3FAF]  }
0x29: {  	s4 =	sld [smem:$0x3FB1]  }
0x2a: {  	p0 =	seq.s32 s5, $0x0;
	s5 =	sld [smem:$0x3FB2]  }
0x2b: {  	s6 =	sld [smem:$0x3FB3]  }
0x2c: {  	s7 =	sld [smem:$0x3FB4]  }
0x2d: {  	s3 =	simm.s32 $0x108;
	s8 =	sld [smem:$0x3FB5]  }
0x2e: {  	s3 =	simm.s32 @!p0 $0x1082;
	s9 =	sld [smem:$0x3FB6]  }
0x2f: {  	lr =	sadd.s32 s0, s3;
	s0 =	sld [smem:$0x3FAD]  }
0x30: {  	s3 =	sld [smem:$0x3FB0]  }
0x31: {  	[smem:$0x3FB9] =	sst s10  }
0x32: {  	s10 =	sld [smem:$0x3FB7];
	_ =	sdelay $0x3  }
0x33: {  	p0 =	seq.s32 s10, $0x1;
	s10 =	sld [smem:$0x3FB9];
	_ =	sdelay $0x3  }
0x34: {  	[smem:$0x3FB9] =	sst s10  }
0x35: {  	s10 =	sld [smem:$0x3FB8];
	_ =	sdelay $0x3  }
0x36: {  	p1 =	seq.s32 s10, $0x1;
	s10 =	sld [smem:$0x3FB9];
	_ =	sdelay $0x3  }
0x37: {  	[smem:$0x3FB9] =	sst s10  }
0x38: {  	s10 =	sld [smem:$0x3FBA]  }
0x39: {  	_ = 	snop;
	(pc) =	sbr.ind lr, $3  }
0x3a: {  	_ = 	snop  }
0x3b: {  	_ = 	snop  }
0x3c: {  	p2 =	seq.s32 s10, $0x1;
	s10 =	sld [smem:$0x3FB9]  }
0x3d: {  	_ =	shalt  }
0x3e: {  	_ =	shalt  }
0x3f: {  	_ =	shalt  }
0x40: {  	_ =	shalt  }
0x41: {  	_ =	shalt  }
0x42: {  	_ =	shalt  }
0x43: {  	_ =	shalt  }
0x44: {  	_ =	shalt  }
0x45: {  	_ =	shalt  }
0x46: {  	_ =	shalt  }
0x47: {  	_ =	shalt  }
0x48: {  	_ =	shalt  }
0x49: {  	_ =	shalt  }
0x4a: {  	_ =	shalt  }
0x4b: {  	_ =	shalt  }
0x4c: {  	_ =	shalt  }
0x4d: {  	_ =	shalt  }
0x4e: {  	_ =	shalt  }
0x4f: {  	_ =	shalt  }
0x50: {  	_ =	shalt  }
0x51: {  	_ =	shalt  }
0x52: {  	_ =	shalt  }
0x53: {  	_ =	shalt  }
0x54: {  	_ =	shalt  }
0x55: {  	_ =	shalt  }
0x56: {  	_ =	shalt  }
0x57: {  	_ =	shalt  }
0x58: {  	_ =	shalt  }
0x59: {  	_ =	shalt  }
0x5a: {  	_ =	shalt  }
0x5b: {  	_ =	shalt  }
0x5c: {  	_ =	shalt  }
0x5d: {  	_ =	shalt  }
0x5e: {  	_ =	shalt  }
0x5f: {  	_ =	shalt  }
0x60: {  	_ =	shalt  }
0x61: {  	_ =	shalt  }
0x62: {  	_ =	shalt  }
0x63: {  	_ =	shalt  }
0x64: {  	_ =	shalt  }
0x65: {  	_ =	shalt  }
0x66: {  	_ =	shalt  }
0x67: {  	_ =	shalt  }
0x68: {  	_ =	shalt  }
0x69: {  	_ =	shalt  }
0x6a: {  	_ =	shalt  }
0x6b: {  	_ =	shalt  }
0x6c: {  	_ =	shalt  }
0x6d: {  	_ =	shalt  }
0x6e: {  	_ =	shalt  }
0x6f: {  	_ =	shalt  }
0x70: {  	_ =	shalt  }
0x71: {  	_ =	shalt  }
0x72: {  	_ =	shalt  }
0x73: {  	_ =	shalt  }
0x74: {  	_ =	shalt  }
0x75: {  	_ =	shalt  }
0x76: {  	_ =	shalt  }
0x77: {  	_ =	shalt  }
0x78: {  	_ =	shalt  }
0x79: {  	_ =	shalt  }
0x7a: {  	_ =	shalt  }
0x7b: {  	_ =	shalt  }
0x7c: {  	_ =	shalt  }
0x7d: {  	_ =	shalt  }
0x7e: {  	_ =	shalt  }
0x7f: {  	_ =	shalt  }
0x80: {  	_ =	shalt  }
0x81: {  	_ =	shalt  }
0x82: {  	_ =	shalt  }
0x83: {  	_ =	shalt  }
0x84: {  	_ =	shalt  }
0x85: {  	_ =	shalt  }
0x86: {  	_ =	shalt  }
0x87: {  	_ =	shalt  }
.Lfunc_end0:
.L_simem_size_0:
called_computation_lowered:
.L_overlay_start_0:
0x88: {  	s2 =	sld [smem:$0x3FD9]  }
0x89: {  	s3 =	sld [smem:$0x3FFE];
	_ =	sdelay $0x1  }
0x8a: {  	s1 =	srdreg.scid  }
0x8b: {  	s0 =	sand.u32 $0x1, s1  }
0x8c: {  	s16 =	sshll.u32 s0, $0xA;
	s2 =	sadd.s32 s3, s2  }
0x8d: {  	s2 =	sadd.s32 s2, s16  }
0x8e: {  	[smem:$0x3FC5] =	sst s2  }
0x8f: {  	_ = 	snop  }
0x90: {  	(tm) =	ssettm $0x1  }
0x91: {  	s17 =	sld [smem:$0x3FFB];
	_ =	sdelay $0x3  }
0x92: {  	_ =	strace s17  }
0x93: {  	s2 =	sld [smem:$0x3FFC];
	_ =	sdelay $0x3  }
0x94: {  	_ =	strace s2  }
0x95: {  	s2 =	sld [smem:$0x3FFD];
	_ =	sdelay $0x3  }
0x96: {  	_ =	strace s2  }
0x97: {  	_ =	strace $0x8FFFFFFF  }
0x98: {  	s18 =	sld [smem:$0x3FDB];
	_ =	sdelay $0x1  }
0x99: {  	s19 =	simm.s32 $_scs_section_size  }
0x9a: {  	s4 =	simm.s32 $_size__tile_overlayer_lowered;
	s5 =	simm.s32 $_tile_overlayer_lowered  }
0x9b: {  	s22 =	simm.s32 $0x1BFF;
	s21 =	sshll.u32 s5, $0x1;
	s2 =	sadd.s32 s19, s18  }
0x9c: {  	s6 =	simm.s32 $0x0;
	s20 =	sshll.u32 s4, $0x1;
	s4 =	sadd.s32 s21, s2  }
0x9d: {  	[timem:s6], [sflag:s22] =	dma.local [hbm:s4], s20  }
0x9e: {  	_ =	swait.ge [sflag:s22], s20  }
0x9f: {  	s3 =	ssub.s32 $0x0, s20;
	[sflag:s22] =	ssyncset.done $0x0  }
0xa0: {  	[sflag:s22] =	ssyncadd.s32 s3;
	_ =	sdelay $0x1  }
0xa1: {  	s23 =	simm.s32 $0x1B8B  }
0xa2: {  	_ =	swait.ge [sflag:s23], $0x1  }
0xa3: {  	[sflag:s23] =	ssyncset.done $0x0  }
0xa4: {  	s25 =	simm.s32 $0x1B8E;
	s24 =	sld [smem:$0x3FFE];
	[sflag:s23] =	ssyncadd.s32 $0xFFFFFFFF  }
0xa5: {  	s26 =	simm.s32 $execute0_lowered;
	[smem:$0x3FD2] =	sst s25  }
0xa6: {  	s4 =	sshll.u32 s26, $0x1;
	_ =	strace $0x80000046;
	[dreg:$0x1] =	wrdreg $0xFFFFFFFF  }
0xa7: {  	s28 =	simm.s32 $_size_execute0_lowered;
	s2 =	sadd.s32 s2, s4;
	[dreg:$0x0] =	wrdreg $0x0  }
0xa8: {  	s4 =	sshll.u32 s28, $0x1;
	[dreg:$0x2] =	wrdreg s2  }
0xa9: {  	[dreg:$0x3] =	wrdreg s4  }
0xaa: {  	[dreg:$0x4] =	wrdreg $0xC0  }
0xab: {  	_ =	task [dreg:s6], $0x5FFFF  }
0xac: {  	[dreg:$0x1] =	wrdreg $0xFFFFFFFF  }
0xad: {  	[dreg:$0x0] =	wrdreg $0x60  }
0xae: {  	[dreg:$0x2] =	wrdreg s24  }
0xaf: {  	[dreg:$0x3] =	wrdreg $0x9  }
0xb0: {  	_ =	task.clear_ibuf [dreg:s6], $0x4FFFF;
	_ =	strace $0x90000046  }
0xb1: {  	s29 =	simm.s32 $0x9;
	_ =	strace $0x80000048  }
0xb2: {  	_ =	swait.ge [sflag:s29], $0x1  }
0xb3: {  	[sflag:s29] =	ssyncadd.s32 $0xFFFFFFFF  }
0xb4: {  	_ =	strace $0x90000048  }
0xb5: {  	_ =	sfence  }
0xb6: {  	s30 =	sld [smem:$0x0];
	_ =	sdelay $0x2  }
0xb7: {  	s31 =	sshll.u32 s1, $0xD;
	s1 =	sshrl.u32 s1, $0x2  }
0xb8: {  	s3 =	sand.u32 $0x4000, s31;
	s1 =	sadd.s32 s1, s30  }
0xb9: {  	s0 =	sor.u32 s3, s0;
	s1 =	sshll.u32 s1, $0x11  }
0xba: {  	s0 =	sor.u32 s1, s0  }
0xbb: {  	s0 =	sadd.s32 $0x8F2B, s0  }
0xbc: {  	[sflag:s0] =	ssyncadd.remote.s32 $0x1  }
0xbd: {  	_ =	sfence.sel $0xFFFF  }
0xbe: {  	[dreg:$0x0] =	wrdreg $0xFFFFFFFF;
	(pc) =	sbr.abs _section_cstart, $3  }
0xbf: {  	[dreg:$0x1] =	wrdreg $0xFFFFFFFF  }
0xc0: {  	_ =	task.clear_ibuf [dreg:s6], $0x2FFFF;
	_ =	strace $0x9FFFFFFF  }
0xc1: {  	(tm) =	ssettm $0x7FFFFFFF  }
tec
execute0_lowered:
.L_overlay_start_1:
0x0: {  	(tag) =	ssettag $0x1  }
0x1: {  	s0 =	srdreg.scid;
	s2 =	stileid.u32  }
0x2: {  	s1 =	rddreg [dreg:$0x0];
	s28 =	simm.s32 $0x200;
	s29 =	simm.s32 $0x400  }
0x3: {  	s17 =	simm.s32 $0x8600;
	s15 =	simm.s32 $0x10600;
	s11 =	simm.s32 $0x4600  }
0x4: {  	s30 =	simm.s32 $0x480;
	s31 =	simm.s32 $0x280;
	p0 =	por $0x0, $0x0  }
0x5: {  	s16 =	simm.s32 $0x2;
	s0 =	sand.u32 $0x1, s0;
	s3 =	sshll.u32 s2, $0xA  }
0x6: {  	s2 =	simm.s32 $0x0;
	s5 =	sadd.s32 $0x7C3E00, s1;
	s6 =	sadd.s32 $0xBA3E00, s1  }
0x7: {  	s7 =	sadd.s32 $0x3E00, s1;
	s9 =	sadd.s32 $0xBE3E00, s1;
	s4 =	sshll.u32 s0, $0x9  }
0x8: {  	[smem:$0x7FF] =	sst s2;
	s0 =	ssub.s32 $0x2, s0;
	s3 =	sor.u32 s4, s3  }
0x9: {  	_ =	strace $0x80000047;
	s10 =	sshrl.u32 s0, $0x1;
	s4 =	sshrl.u32 s3, $0x3  }
0xa: {  	s3 =	sshll.u32 s3, $0x4;
	s0 =	ssub.s32 s0, s10;
	s10 =	simm.s32 $0xC600  }
0xb: {  	s4 =	sadd.s32 s4, s1;
	s1 =	sadd.s32 $0xC23E00, s1;
	s19 =	sadd.s32 s6, s3  }
0xc: {  	s20 =	sadd.s32 s9, s3;
	s22 =	sor.u32 $0x800, s3;
	s26 =	sor.u32 $0x1000, s3  }
0xd: {  	s0 =	smax.u32 s0, $0x1;
	s8 =	sadd.s32 $0x1600, s4;
	[dreg:$0x5] =	wrdreg s19  }
0xe: {  	s18 =	sadd.s32 $0x1E00, s4;
	s4 =	sadd.s32 $0x3600, s4;
	[dreg:$0x6] =	wrdreg s20  }
0xf: {  	s21 =	sadd.s32 s1, s3;
	s23 =	sadd.s32 s6, s22;
	[dreg:$0x2] =	wrdreg s8  }
0x10: {  	s24 =	sadd.s32 s9, s22;
	s25 =	sadd.s32 s1, s22;
	[dreg:$0x3] =	wrdreg s18  }
0x11: {  	s14 =	sadd.s32 s6, s26;
	s3 =	sor.u32 $0x1800, s3;
	[dreg:$0x4] =	wrdreg s4  }
0x12: {  	s13 =	sadd.s32 s9, s26;
	s12 =	sadd.s32 s1, s26;
	[dreg:$0x7] =	wrdreg s21  }
0x13: {  	s19 =	simm.s32 $0x80;
	s20 =	simm.s32 $0x1;
	[dreg:$0x8] =	wrdreg s23  }
0x14: {  	p1 =	sne.s32 s0, $0x1;
	s26 =	simm.s32 $0x300;
	[dreg:$0x9] =	wrdreg s24  }
.Ltmp0:
0x15: {  	s22 =	simm.s32 $0x580;
	[dreg:$0xa] =	wrdreg s25;
	(pc) =	sbr.rel @!p1 .LBB2_3-.Ltmp0, $4  }
0x16: {  	s8 =	sadd.s32 s6, s3;
	s6 =	sadd.s32 s9, s3;
	s4 =	sadd.s32 s1, s3  }
0x17: {  	s3 =	simm.s32 $0x3;
	s18 =	simm.s32 $0x600;
	s9 =	simm.s32 $0x14600  }
0x18: {  	s24 =	simm.s32 $0x100;
	s1 =	sadd.s32 $0xFFFFFFFF, s0;
	s25 =	simm.s32 $0x500  }
0x19: {  	s21 =	simm.s32 $0x180;
	s23 =	simm.s32 $0x380;
	s0 =	rddreg [dreg:$0x2]  }
0x1a: {  	[tilespmem:s2], [sflag:$0x3] =	stream.linear.gather [hbm4b:s0+s2], $0x200, $0x38;
	[tilespmem:$0x18600] =	vst v63  }
0x1b: {  	_ =	swait.ge [sflag:s3], $0x200  }
0x1c: {  	[sflag:s3] =	ssyncset.done $0x0  }
0x1d: {  	s0 =	rddreg [dreg:$0x3];
	[sflag:s3] =	ssyncadd.s32 $0xFFFFFE00  }
0x1e: {  	[tilespmem:s28], [sflag:$0x3] =	stream.linear.gather [hbm4b:s0+s2], $0x200, $0x38;
	[tilespmem:$0x18600] =	vst v63  }
0x1f: {  	_ =	swait.ge [sflag:s3], $0x200  }
0x20: {  	[sflag:s3] =	ssyncset.done $0x0  }
0x21: {  	s0 =	rddreg [dreg:$0x4];
	[sflag:s3] =	ssyncadd.s32 $0xFFFFFE00  }
0x22: {  	[tilespmem:s29], [sflag:$0x3] =	stream.linear.gather [hbm4b:s0+s2], $0x200, $0x38;
	[tilespmem:$0x18600] =	vst v63  }
0x23: {  	_ =	swait.ge [sflag:s3], $0x200  }
0x24: {  	[sflag:s3] =	ssyncset.done $0x0  }
0x25: {  	[sflag:s3] =	ssyncadd.s32 $0xFFFFFE00  }
0x26: {  	[tilespmem:s18], [sflag:$0x1] =	stream.indirect.gather [hbm4b:s7+s19], $0x80, s2, s19, $0xb8;
	[tilespmem:$0x18600] =	vst v63  }
0x27: {  	_ = 	snop  }
0x28: {  	[tilespmem:s17], [sflag:$0x1] =	stream.indirect.gather [hbm4b:s7+s19], $0x80, s29, s19, $0xb8;
	[tilespmem:$0x18600] =	vst v63  }
0x29: {  	_ = 	snop  }
0x2a: {  	[tilespmem:s15], [sflag:$0x1] =	stream.indirect.gather [hbm4b:s5+s19], $0x80, s28, s19, $0xb8;
	[tilespmem:$0x18600] =	vst v63  }
0x2b: {  	_ = 	snop  }
0x2c: {  	[tilespmem:s11], [sflag:$0x2] =	stream.indirect.gather [hbm4b:s7+s19], $0x80, s19, s19, $0xb8;
	[tilespmem:$0x18600] =	vst v63  }
0x2d: {  	_ = 	snop  }
0x2e: {  	[tilespmem:s10], [sflag:$0x2] =	stream.indirect.gather [hbm4b:s7+s19], $0x80, s30, s19, $0xb8;
	[tilespmem:$0x18600] =	vst v63  }
0x2f: {  	_ = 	snop  }
0x30: {  	[tilespmem:s9], [sflag:$0x2] =	stream.indirect.gather [hbm4b:s5+s19], $0x80, s31, s19, $0xb8;
	[tilespmem:$0x18600] =	vst v63  }
0x31: {  	_ =	swait.ge [sflag:s20], $0x4000  }
0x32: {  	[sflag:s20] =	ssyncset.done $0x0  }
0x33: {  	[sflag:s20] =	ssyncadd.s32 $0xFFFFC000  }
0x34: {  	_ =	swait.ge [sflag:s20], $0x4000  }
0x35: {  	[sflag:s20] =	ssyncset.done $0x0  }
0x36: {  	[sflag:s20] =	ssyncadd.s32 $0xFFFFC000  }
0x37: {  	_ =	swait.ge [sflag:s20], $0x4000  }
0x38: {  	[sflag:s20] =	ssyncset.done $0x0  }
0x39: {  	s0 =	rddreg [dreg:$0x5];
	[sflag:s20] =	ssyncadd.s32 $0xFFFFC000  }
0x3a: {  	[hbm4b:s0+s2] =	stream.linear.scatter [tilespmem:s18], [sflag:$0x3], $0x4000, $0x38;
	[tilespmem:$0x18600] =	vst v63  }
0x3b: {  	_ =	swait.ge [sflag:s3], $0x4000  }
0x3c: {  	[sflag:s3] =	ssyncset.done $0x0  }
0x3d: {  	s0 =	rddreg [dreg:$0x6];
	[sflag:s3] =	ssyncadd.s32 $0xFFFFC000  }
0x3e: {  	[hbm4b:s0+s2] =	stream.linear.scatter [tilespmem:s17], [sflag:$0x3], $0x4000, $0x38;
	[tilespmem:$0x18600] =	vst v63  }
0x3f: {  	_ =	swait.ge [sflag:s3], $0x4000  }
0x40: {  	[sflag:s3] =	ssyncset.done $0x0  }
0x41: {  	s0 =	rddreg [dreg:$0x7];
	[sflag:s3] =	ssyncadd.s32 $0xFFFFC000  }
0x42: {  	[hbm4b:s0+s2] =	stream.linear.scatter [tilespmem:s15], [sflag:$0x3], $0x4000, $0x38;
	[tilespmem:$0x18600] =	vst v63  }
0x43: {  	_ =	swait.ge [sflag:s3], $0x4000  }
0x44: {  	[sflag:s3] =	ssyncset.done $0x0  }
0x45: {  	[sflag:s3] =	ssyncadd.s32 $0xFFFFC000  }
0x46: {  	[tilespmem:s18], [sflag:$0x1] =	stream.indirect.gather [hbm4b:s7+s19], $0x80, s24, s19, $0xb8;
	[tilespmem:$0x18600] =	vst v63  }
0x47: {  	_ = 	snop  }
0x48: {  	[tilespmem:s17], [sflag:$0x1] =	stream.indirect.gather [hbm4b:s7+s19], $0x80, s25, s19, $0xb8;
	[tilespmem:$0x18600] =	vst v63  }
0x49: {  	_ = 	snop  }
0x4a: {  	[tilespmem:s15], [sflag:$0x1] =	stream.indirect.gather [hbm4b:s5+s19], $0x80, s26, s19, $0xb8;
	[tilespmem:$0x18600] =	vst v63  }
0x4b: {  	_ =	swait.ge [sflag:s16], $0x4000  }
0x4c: {  	[sflag:s16] =	ssyncset.done $0x0  }
0x4d: {  	[sflag:s16] =	ssyncadd.s32 $0xFFFFC000  }
0x4e: {  	_ =	swait.ge [sflag:s16], $0x4000  }
0x4f: {  	[sflag:s16] =	ssyncset.done $0x0  }
0x50: {  	[sflag:s16] =	ssyncadd.s32 $0xFFFFC000  }
0x51: {  	_ =	swait.ge [sflag:s16], $0x4000  }
0x52: {  	[sflag:s16] =	ssyncset.done $0x0  }
0x53: {  	s0 =	rddreg [dreg:$0x8];
	[sflag:s16] =	ssyncadd.s32 $0xFFFFC000  }
0x54: {  	[hbm4b:s0+s2] =	stream.linear.scatter [tilespmem:s11], [sflag:$0x3], $0x4000, $0x38;
	[tilespmem:$0x18600] =	vst v63  }
0x55: {  	_ =	swait.ge [sflag:s3], $0x4000  }
0x56: {  	[sflag:s3] =	ssyncset.done $0x0  }
0x57: {  	s0 =	rddreg [dreg:$0x9];
	[sflag:s3] =	ssyncadd.s32 $0xFFFFC000  }
0x58: {  	[hbm4b:s0+s2] =	stream.linear.scatter [tilespmem:s10], [sflag:$0x3], $0x4000, $0x38;
	[tilespmem:$0x18600] =	vst v63  }
0x59: {  	_ =	swait.ge [sflag:s3], $0x4000  }
0x5a: {  	[sflag:s3] =	ssyncset.done $0x0  }
0x5b: {  	s0 =	rddreg [dreg:$0xa];
	[sflag:s3] =	ssyncadd.s32 $0xFFFFC000  }
0x5c: {  	[hbm4b:s0+s2] =	stream.linear.scatter [tilespmem:s9], [sflag:$0x3], $0x4000, $0x38;
	[tilespmem:$0x18600] =	vst v63  }
0x5d: {  	_ =	swait.ge [sflag:s3], $0x4000  }
0x5e: {  	[sflag:s3] =	ssyncset.done $0x0  }
0x5f: {  	[sflag:s3] =	ssyncadd.s32 $0xFFFFC000  }
0x60: {  	[tilespmem:s11], [sflag:$0x2] =	stream.indirect.gather [hbm4b:s7+s19], $0x80, s21, s19, $0xb8;
	[tilespmem:$0x18600] =	vst v63  }
0x61: {  	_ = 	snop  }
0x62: {  	[tilespmem:s10], [sflag:$0x2] =	stream.indirect.gather [hbm4b:s7+s19], $0x80, s22, s19, $0xb8;
	[tilespmem:$0x18600] =	vst v63  }
0x63: {  	_ = 	snop  }
0x64: {  	[tilespmem:s9], [sflag:$0x2] =	stream.indirect.gather [hbm4b:s5+s19], $0x80, s23, s19, $0xb8;
	[tilespmem:$0x18600] =	vst v63  }
0x65: {  	_ =	swait.ge [sflag:s20], $0x4000  }
0x66: {  	[sflag:s20] =	ssyncset.done $0x0  }
0x67: {  	[sflag:s20] =	ssyncadd.s32 $0xFFFFC000  }
0x68: {  	_ =	swait.ge [sflag:s20], $0x4000  }
0x69: {  	[sflag:s20] =	ssyncset.done $0x0  }
0x6a: {  	[sflag:s20] =	ssyncadd.s32 $0xFFFFC000  }
0x6b: {  	_ =	swait.ge [sflag:s20], $0x4000  }
0x6c: {  	[sflag:s20] =	ssyncset.done $0x0  }
0x6d: {  	[sflag:s20] =	ssyncadd.s32 $0xFFFFC000  }
0x6e: {  	[hbm4b:s14+s2] =	stream.linear.scatter [tilespmem:s18], [sflag:$0x3], $0x4000, $0x38;
	[tilespmem:$0x18600] =	vst v63  }
0x6f: {  	_ =	swait.ge [sflag:s3], $0x4000  }
0x70: {  	[sflag:s3] =	ssyncset.done $0x0  }
0x71: {  	[sflag:s3] =	ssyncadd.s32 $0xFFFFC000  }
0x72: {  	[hbm4b:s13+s2] =	stream.linear.scatter [tilespmem:s17], [sflag:$0x3], $0x4000, $0x38;
	[tilespmem:$0x18600] =	vst v63  }
0x73: {  	_ =	swait.ge [sflag:s3], $0x4000  }
0x74: {  	[sflag:s3] =	ssyncset.done $0x0  }
0x75: {  	[sflag:s3] =	ssyncadd.s32 $0xFFFFC000  }
0x76: {  	[hbm4b:s12+s2] =	stream.linear.scatter [tilespmem:s15], [sflag:$0x3], $0x4000, $0x38;
	[tilespmem:$0x18600] =	vst v63  }
0x77: {  	_ =	swait.ge [sflag:s3], $0x4000  }
0x78: {  	[sflag:s3] =	ssyncset.done $0x0  }
0x79: {  	[sflag:s3] =	ssyncadd.s32 $0xFFFFC000  }
0x7a: {  	_ =	swait.ge [sflag:s16], $0x4000  }
0x7b: {  	[sflag:s16] =	ssyncset.done $0x0  }
0x7c: {  	[sflag:s16] =	ssyncadd.s32 $0xFFFFC000  }
0x7d: {  	_ =	swait.ge [sflag:s16], $0x4000  }
0x7e: {  	[sflag:s16] =	ssyncset.done $0x0  }
0x7f: {  	[sflag:s16] =	ssyncadd.s32 $0xFFFFC000  }
0x80: {  	_ =	swait.ge [sflag:s16], $0x4000  }
0x81: {  	[sflag:s16] =	ssyncset.done $0x0  }
0x82: {  	[sflag:s16] =	ssyncadd.s32 $0xFFFFC000  }
0x83: {  	[hbm4b:s8+s2] =	stream.linear.scatter [tilespmem:s11], [sflag:$0x3], $0x4000, $0x38;
	[tilespmem:$0x18600] =	vst v63  }
0x84: {  	_ =	swait.ge [sflag:s3], $0x4000  }
0x85: {  	[sflag:s3] =	ssyncset.done $0x0  }
0x86: {  	[sflag:s3] =	ssyncadd.s32 $0xFFFFC000  }
0x87: {  	[hbm4b:s6+s2] =	stream.linear.scatter [tilespmem:s10], [sflag:$0x3], $0x4000, $0x38;
	[tilespmem:$0x18600] =	vst v63  }
0x88: {  	p1 =	sne.s32 s1, $0x1;
	_ =	swait.ge [sflag:s3], $0x4000  }
.Ltmp1:
0x89: {  	[sflag:s3] =	ssyncset.done $0x0;
	(pc) =	sbr.rel @!p1 .LBB2_3-.Ltmp1, $4  }
0x8a: {  	[sflag:s3] =	ssyncadd.s32 $0xFFFFC000  }
0x8b: {  	[hbm4b:s4+s2] =	stream.linear.scatter [tilespmem:s9], [sflag:$0x3], $0x4000, $0x38;
	[tilespmem:$0x18600] =	vst v63  }
0x8c: {  	s1 =	sadd.s32 $0xFFFFFFFF, s1;
	_ =	swait.ge [sflag:s3], $0x4000  }
0x8d: {  	p0 =	por $0x1, $0x1;
	s0 =	rddreg [dreg:$0x2];
	[sflag:s3] =	ssyncset.done $0x0  }
.LBB2_2:
0x8e: {  	[sflag:s3] =	ssyncadd.s32 $0xFFFFC000  }
0x8f: {  	[tilespmem:s2], [sflag:$0x3] =	stream.linear.gather [hbm4b:s0+s2], $0x200, $0x38;
	[tilespmem:$0x18600] =	vst v63  }
0x90: {  	_ =	swait.ge [sflag:s3], $0x200  }
0x91: {  	[sflag:s3] =	ssyncset.done $0x0  }
0x92: {  	s0 =	rddreg [dreg:$0x3];
	[sflag:s3] =	ssyncadd.s32 $0xFFFFFE00  }
0x93: {  	[tilespmem:s28], [sflag:$0x3] =	stream.linear.gather [hbm4b:s0+s2], $0x200, $0x38;
	[tilespmem:$0x18600] =	vst v63  }
0x94: {  	_ =	swait.ge [sflag:s3], $0x200  }
0x95: {  	[sflag:s3] =	ssyncset.done $0x0  }
0x96: {  	s0 =	rddreg [dreg:$0x4];
	[sflag:s3] =	ssyncadd.s32 $0xFFFFFE00  }
0x97: {  	[tilespmem:s29], [sflag:$0x3] =	stream.linear.gather [hbm4b:s0+s2], $0x200, $0x38;
	[tilespmem:$0x18600] =	vst v63  }
0x98: {  	_ =	swait.ge [sflag:s3], $0x200  }
0x99: {  	[sflag:s3] =	ssyncset.done $0x0  }
0x9a: {  	[sflag:s3] =	ssyncadd.s32 $0xFFFFFE00  }
0x9b: {  	[tilespmem:s18], [sflag:$0x1] =	stream.indirect.gather [hbm4b:s7+s19], $0x80, s2, s19, $0xb8;
	[tilespmem:$0x18600] =	vst v63  }
0x9c: {  	_ = 	snop  }
0x9d: {  	[tilespmem:s17], [sflag:$0x1] =	stream.indirect.gather [hbm4b:s7+s19], $0x80, s29, s19, $0xb8;
	[tilespmem:$0x18600] =	vst v63  }
0x9e: {  	_ = 	snop  }
0x9f: {  	[tilespmem:s15], [sflag:$0x1] =	stream.indirect.gather [hbm4b:s5+s19], $0x80, s28, s19, $0xb8;
	[tilespmem:$0x18600] =	vst v63  }
0xa0: {  	_ = 	snop  }
0xa1: {  	[tilespmem:s11], [sflag:$0x2] =	stream.indirect.gather [hbm4b:s7+s19], $0x80, s19, s19, $0xb8;
	[tilespmem:$0x18600] =	vst v63  }
0xa2: {  	_ = 	snop  }
0xa3: {  	[tilespmem:s10], [sflag:$0x2] =	stream.indirect.gather [hbm4b:s7+s19], $0x80, s30, s19, $0xb8;
	[tilespmem:$0x18600] =	vst v63  }
0xa4: {  	_ = 	snop  }
0xa5: {  	[tilespmem:s9], [sflag:$0x2] =	stream.indirect.gather [hbm4b:s5+s19], $0x80, s31, s19, $0xb8;
	[tilespmem:$0x18600] =	vst v63  }
0xa6: {  	_ =	swait.ge [sflag:s20], $0x4000  }
0xa7: {  	[sflag:s20] =	ssyncset.done $0x0  }
0xa8: {  	[sflag:s20] =	ssyncadd.s32 $0xFFFFC000  }
0xa9: {  	_ =	swait.ge [sflag:s20], $0x4000  }
0xaa: {  	[sflag:s20] =	ssyncset.done $0x0  }
0xab: {  	[sflag:s20] =	ssyncadd.s32 $0xFFFFC000  }
0xac: {  	_ =	swait.ge [sflag:s20], $0x4000  }
0xad: {  	[sflag:s20] =	ssyncset.done $0x0  }
0xae: {  	s0 =	rddreg [dreg:$0x5];
	[sflag:s20] =	ssyncadd.s32 $0xFFFFC000  }
0xaf: {  	[hbm4b:s0+s2] =	stream.linear.scatter [tilespmem:s18], [sflag:$0x3], $0x4000, $0x38;
	[tilespmem:$0x18600] =	vst v63  }
0xb0: {  	_ =	swait.ge [sflag:s3], $0x4000  }
0xb1: {  	[sflag:s3] =	ssyncset.done $0x0  }
0xb2: {  	s0 =	rddreg [dreg:$0x6];
	[sflag:s3] =	ssyncadd.s32 $0xFFFFC000  }
0xb3: {  	[hbm4b:s0+s2] =	stream.linear.scatter [tilespmem:s17], [sflag:$0x3], $0x4000, $0x38;
	[tilespmem:$0x18600] =	vst v63  }
0xb4: {  	_ =	swait.ge [sflag:s3], $0x4000  }
0xb5: {  	[sflag:s3] =	ssyncset.done $0x0  }
0xb6: {  	s0 =	rddreg [dreg:$0x7];
	[sflag:s3] =	ssyncadd.s32 $0xFFFFC000  }
0xb7: {  	[hbm4b:s0+s2] =	stream.linear.scatter [tilespmem:s15], [sflag:$0x3], $0x4000, $0x38;
	[tilespmem:$0x18600] =	vst v63  }
0xb8: {  	_ =	swait.ge [sflag:s3], $0x4000  }
0xb9: {  	[sflag:s3] =	ssyncset.done $0x0  }
0xba: {  	[sflag:s3] =	ssyncadd.s32 $0xFFFFC000  }
0xbb: {  	[tilespmem:s18], [sflag:$0x1] =	stream.indirect.gather [hbm4b:s7+s19], $0x80, s24, s19, $0xb8;
	[tilespmem:$0x18600] =	vst v63  }
0xbc: {  	_ = 	snop  }
0xbd: {  	[tilespmem:s17], [sflag:$0x1] =	stream.indirect.gather [hbm4b:s7+s19], $0x80, s25, s19, $0xb8;
	[tilespmem:$0x18600] =	vst v63  }
0xbe: {  	_ = 	snop  }
0xbf: {  	[tilespmem:s15], [sflag:$0x1] =	stream.indirect.gather [hbm4b:s5+s19], $0x80, s26, s19, $0xb8;
	[tilespmem:$0x18600] =	vst v63  }
0xc0: {  	_ =	swait.ge [sflag:s16], $0x4000  }
0xc1: {  	[sflag:s16] =	ssyncset.done $0x0  }
0xc2: {  	[sflag:s16] =	ssyncadd.s32 $0xFFFFC000  }
0xc3: {  	_ =	swait.ge [sflag:s16], $0x4000  }
0xc4: {  	[sflag:s16] =	ssyncset.done $0x0  }
0xc5: {  	[sflag:s16] =	ssyncadd.s32 $0xFFFFC000  }
0xc6: {  	_ =	swait.ge [sflag:s16], $0x4000  }
0xc7: {  	[sflag:s16] =	ssyncset.done $0x0  }
0xc8: {  	s0 =	rddreg [dreg:$0x8];
	[sflag:s16] =	ssyncadd.s32 $0xFFFFC000  }
0xc9: {  	[hbm4b:s0+s2] =	stream.linear.scatter [tilespmem:s11], [sflag:$0x3], $0x4000, $0x38;
	[tilespmem:$0x18600] =	vst v63  }
0xca: {  	_ =	swait.ge [sflag:s3], $0x4000  }
0xcb: {  	[sflag:s3] =	ssyncset.done $0x0  }
0xcc: {  	s0 =	rddreg [dreg:$0x9];
	[sflag:s3] =	ssyncadd.s32 $0xFFFFC000  }
0xcd: {  	[hbm4b:s0+s2] =	stream.linear.scatter [tilespmem:s10], [sflag:$0x3], $0x4000, $0x38;
	[tilespmem:$0x18600] =	vst v63  }
0xce: {  	_ =	swait.ge [sflag:s3], $0x4000  }
0xcf: {  	[sflag:s3] =	ssyncset.done $0x0  }
0xd0: {  	s0 =	rddreg [dreg:$0xa];
	[sflag:s3] =	ssyncadd.s32 $0xFFFFC000  }
0xd1: {  	[hbm4b:s0+s2] =	stream.linear.scatter [tilespmem:s9], [sflag:$0x3], $0x4000, $0x38;
	[tilespmem:$0x18600] =	vst v63  }
0xd2: {  	_ =	swait.ge [sflag:s3], $0x4000  }
0xd3: {  	[sflag:s3] =	ssyncset.done $0x0  }
0xd4: {  	[sflag:s3] =	ssyncadd.s32 $0xFFFFC000  }
0xd5: {  	[tilespmem:s11], [sflag:$0x2] =	stream.indirect.gather [hbm4b:s7+s19], $0x80, s21, s19, $0xb8;
	[tilespmem:$0x18600] =	vst v63  }
0xd6: {  	_ = 	snop  }
0xd7: {  	[tilespmem:s10], [sflag:$0x2] =	stream.indirect.gather [hbm4b:s7+s19], $0x80, s22, s19, $0xb8;
	[tilespmem:$0x18600] =	vst v63  }
0xd8: {  	_ = 	snop  }
0xd9: {  	[tilespmem:s9], [sflag:$0x2] =	stream.indirect.gather [hbm4b:s5+s19], $0x80, s23, s19, $0xb8;
	[tilespmem:$0x18600] =	vst v63  }
0xda: {  	_ =	swait.ge [sflag:s20], $0x4000  }
0xdb: {  	[sflag:s20] =	ssyncset.done $0x0  }
0xdc: {  	[sflag:s20] =	ssyncadd.s32 $0xFFFFC000  }
0xdd: {  	_ =	swait.ge [sflag:s20], $0x4000  }
0xde: {  	[sflag:s20] =	ssyncset.done $0x0  }
0xdf: {  	[sflag:s20] =	ssyncadd.s32 $0xFFFFC000  }
0xe0: {  	_ =	swait.ge [sflag:s20], $0x4000  }
0xe1: {  	[sflag:s20] =	ssyncset.done $0x0  }
0xe2: {  	[sflag:s20] =	ssyncadd.s32 $0xFFFFC000  }
0xe3: {  	[hbm4b:s14+s2] =	stream.linear.scatter [tilespmem:s18], [sflag:$0x3], $0x4000, $0x38;
	[tilespmem:$0x18600] =	vst v63  }
0xe4: {  	_ =	swait.ge [sflag:s3], $0x4000  }
0xe5: {  	[sflag:s3] =	ssyncset.done $0x0  }
0xe6: {  	[sflag:s3] =	ssyncadd.s32 $0xFFFFC000  }
0xe7: {  	[hbm4b:s13+s2] =	stream.linear.scatter [tilespmem:s17], [sflag:$0x3], $0x4000, $0x38;
	[tilespmem:$0x18600] =	vst v63  }
0xe8: {  	_ =	swait.ge [sflag:s3], $0x4000  }
0xe9: {  	[sflag:s3] =	ssyncset.done $0x0  }
0xea: {  	[sflag:s3] =	ssyncadd.s32 $0xFFFFC000  }
0xeb: {  	[hbm4b:s12+s2] =	stream.linear.scatter [tilespmem:s15], [sflag:$0x3], $0x4000, $0x38;
	[tilespmem:$0x18600] =	vst v63  }
0xec: {  	_ =	swait.ge [sflag:s3], $0x4000  }
0xed: {  	[sflag:s3] =	ssyncset.done $0x0  }
0xee: {  	[sflag:s3] =	ssyncadd.s32 $0xFFFFC000  }
0xef: {  	_ =	swait.ge [sflag:s16], $0x4000  }
0xf0: {  	[sflag:s16] =	ssyncset.done $0x0  }
0xf1: {  	[sflag:s16] =	ssyncadd.s32 $0xFFFFC000  }
0xf2: {  	_ =	swait.ge [sflag:s16], $0x4000  }
0xf3: {  	[sflag:s16] =	ssyncset.done $0x0  }
0xf4: {  	[sflag:s16] =	ssyncadd.s32 $0xFFFFC000  }
0xf5: {  	_ =	swait.ge [sflag:s16], $0x4000  }
0xf6: {  	[sflag:s16] =	ssyncset.done $0x0  }
0xf7: {  	[sflag:s16] =	ssyncadd.s32 $0xFFFFC000  }
0xf8: {  	[hbm4b:s8+s2] =	stream.linear.scatter [tilespmem:s11], [sflag:$0x3], $0x4000, $0x38;
	[tilespmem:$0x18600] =	vst v63  }
0xf9: {  	_ =	swait.ge [sflag:s3], $0x4000  }
0xfa: {  	[sflag:s3] =	ssyncset.done $0x0  }
0xfb: {  	[sflag:s3] =	ssyncadd.s32 $0xFFFFC000  }
0xfc: {  	[hbm4b:s6+s2] =	stream.linear.scatter [tilespmem:s10], [sflag:$0x3], $0x4000, $0x38;
	[tilespmem:$0x18600] =	vst v63  }
0xfd: {  	p1 =	sne.s32 s1, $0x1;
	_ =	swait.ge [sflag:s3], $0x4000  }
.Ltmp2:
0xfe: {  	[sflag:s3] =	ssyncset.done $0x0;
	(pc) =	sbr.rel @p1 .LBB2_2-.Ltmp2, $4  }
0xff: {  	[sflag:s3] =	ssyncadd.s32 $0xFFFFC000  }
0x100: {  	[hbm4b:s4+s2] =	stream.linear.scatter [tilespmem:s9], [sflag:$0x3], $0x4000, $0x38;
	[tilespmem:$0x18600] =	vst v63  }
0x101: {  	_ =	swait.ge [sflag:s3], $0x4000  }
0x102: {  	s1 =	sadd.s32 $0xFFFFFFFF, s1;
	s0 =	rddreg [dreg:$0x2];
	[sflag:s3] =	ssyncset.done $0x0  }
.LBB2_3:
0x103: {  	[sflag:s3] =	ssyncadd.s32 @p0 $0xFFFFC000  }
0x104: {  	[tilespmem:s2], [sflag:$0x3] =	stream.linear.gather [hbm4b:s0+s2], $0x200, $0x38;
	[tilespmem:$0x18600] =	vst v63  }
0x105: {  	_ =	swait.ge [sflag:s3], $0x200  }
0x106: {  	[sflag:s3] =	ssyncset.done $0x0  }
0x107: {  	s1 =	rddreg [dreg:$0x3];
	[sflag:s3] =	ssyncadd.s32 $0xFFFFFE00  }
0x108: {  	[tilespmem:s28], [sflag:$0x3] =	stream.linear.gather [hbm4b:s1+s2], $0x200, $0x38;
	[tilespmem:$0x18600] =	vst v63  }
0x109: {  	_ =	swait.ge [sflag:s3], $0x200  }
0x10a: {  	[sflag:s3] =	ssyncset.done $0x0  }
0x10b: {  	s1 =	rddreg [dreg:$0x4];
	[sflag:s3] =	ssyncadd.s32 $0xFFFFFE00  }
0x10c: {  	[tilespmem:s29], [sflag:$0x3] =	stream.linear.gather [hbm4b:s1+s2], $0x200, $0x38;
	[tilespmem:$0x18600] =	vst v63  }
0x10d: {  	_ =	swait.ge [sflag:s3], $0x200  }
0x10e: {  	[sflag:s3] =	ssyncset.done $0x0  }
0x10f: {  	[sflag:s3] =	ssyncadd.s32 $0xFFFFFE00  }
0x110: {  	[tilespmem:s18], [sflag:$0x1] =	stream.indirect.gather [hbm4b:s7+s19], $0x80, s2, s19, $0xb8;
	[tilespmem:$0x18600] =	vst v63  }
0x111: {  	_ = 	snop  }
0x112: {  	[tilespmem:s17], [sflag:$0x1] =	stream.indirect.gather [hbm4b:s7+s19], $0x80, s29, s19, $0xb8;
	[tilespmem:$0x18600] =	vst v63  }
0x113: {  	_ = 	snop  }
0x114: {  	[tilespmem:s15], [sflag:$0x1] =	stream.indirect.gather [hbm4b:s5+s19], $0x80, s28, s19, $0xb8;
	[tilespmem:$0x18600] =	vst v63  }
0x115: {  	_ = 	snop  }
0x116: {  	[tilespmem:s11], [sflag:$0x2] =	stream.indirect.gather [hbm4b:s7+s19], $0x80, s19, s19, $0xb8;
	[tilespmem:$0x18600] =	vst v63  }
0x117: {  	_ = 	snop  }
0x118: {  	[tilespmem:s10], [sflag:$0x2] =	stream.indirect.gather [hbm4b:s7+s19], $0x80, s30, s19, $0xb8;
	[tilespmem:$0x18600] =	vst v63  }
0x119: {  	_ = 	snop  }
0x11a: {  	[tilespmem:s9], [sflag:$0x2] =	stream.indirect.gather [hbm4b:s5+s19], $0x80, s31, s19, $0xb8;
	[tilespmem:$0x18600] =	vst v63  }
0x11b: {  	_ =	swait.ge [sflag:s20], $0x4000  }
0x11c: {  	[sflag:s20] =	ssyncset.done $0x0  }
0x11d: {  	[sflag:s20] =	ssyncadd.s32 $0xFFFFC000  }
0x11e: {  	_ =	swait.ge [sflag:s20], $0x4000  }
0x11f: {  	[sflag:s20] =	ssyncset.done $0x0  }
0x120: {  	[sflag:s20] =	ssyncadd.s32 $0xFFFFC000  }
0x121: {  	_ =	swait.ge [sflag:s20], $0x4000  }
0x122: {  	[sflag:s20] =	ssyncset.done $0x0  }
0x123: {  	s30 =	rddreg [dreg:$0x5];
	[sflag:s20] =	ssyncadd.s32 $0xFFFFC000  }
0x124: {  	[hbm4b:s30+s2] =	stream.linear.scatter [tilespmem:s18], [sflag:$0x3], $0x4000, $0x38;
	[tilespmem:$0x18600] =	vst v63  }
0x125: {  	_ =	swait.ge [sflag:s3], $0x4000  }
0x126: {  	[sflag:s3] =	ssyncset.done $0x0  }
0x127: {  	s31 =	rddreg [dreg:$0x6];
	[sflag:s3] =	ssyncadd.s32 $0xFFFFC000  }
0x128: {  	[hbm4b:s31+s2] =	stream.linear.scatter [tilespmem:s17], [sflag:$0x3], $0x4000, $0x38;
	[tilespmem:$0x18600] =	vst v63  }
0x129: {  	_ =	swait.ge [sflag:s3], $0x4000  }
0x12a: {  	[sflag:s3] =	ssyncset.done $0x0  }
0x12b: {  	s1 =	rddreg [dreg:$0x7];
	[sflag:s3] =	ssyncadd.s32 $0xFFFFC000  }
0x12c: {  	[hbm4b:s1+s2] =	stream.linear.scatter [tilespmem:s15], [sflag:$0x3], $0x4000, $0x38;
	[tilespmem:$0x18600] =	vst v63  }
0x12d: {  	_ =	swait.ge [sflag:s3], $0x4000  }
0x12e: {  	[sflag:s3] =	ssyncset.done $0x0  }
0x12f: {  	[sflag:s3] =	ssyncadd.s32 $0xFFFFC000  }
0x130: {  	[tilespmem:s18], [sflag:$0x1] =	stream.indirect.gather [hbm4b:s7+s19], $0x80, s24, s19, $0xb8;
	[tilespmem:$0x18600] =	vst v63  }
0x131: {  	_ = 	snop  }
0x132: {  	[tilespmem:s17], [sflag:$0x1] =	stream.indirect.gather [hbm4b:s7+s19], $0x80, s25, s19, $0xb8;
	[tilespmem:$0x18600] =	vst v63  }
0x133: {  	_ = 	snop  }
0x134: {  	[tilespmem:s15], [sflag:$0x1] =	stream.indirect.gather [hbm4b:s5+s19], $0x80, s26, s19, $0xb8;
	[tilespmem:$0x18600] =	vst v63  }
0x135: {  	_ =	swait.ge [sflag:s16], $0x4000  }
0x136: {  	[sflag:s16] =	ssyncset.done $0x0  }
0x137: {  	[sflag:s16] =	ssyncadd.s32 $0xFFFFC000  }
0x138: {  	_ =	swait.ge [sflag:s16], $0x4000  }
0x139: {  	[sflag:s16] =	ssyncset.done $0x0  }
0x13a: {  	[sflag:s16] =	ssyncadd.s32 $0xFFFFC000  }
0x13b: {  	_ =	swait.ge [sflag:s16], $0x4000  }
0x13c: {  	[sflag:s16] =	ssyncset.done $0x0  }
0x13d: {  	s28 =	rddreg [dreg:$0x8];
	[sflag:s16] =	ssyncadd.s32 $0xFFFFC000  }
0x13e: {  	[hbm4b:s28+s2] =	stream.linear.scatter [tilespmem:s11], [sflag:$0x3], $0x4000, $0x38;
	[tilespmem:$0x18600] =	vst v63  }
0x13f: {  	_ =	swait.ge [sflag:s3], $0x4000  }
0x140: {  	[sflag:s3] =	ssyncset.done $0x0  }
0x141: {  	s29 =	rddreg [dreg:$0x9];
	[sflag:s3] =	ssyncadd.s32 $0xFFFFC000  }
0x142: {  	[hbm4b:s29+s2] =	stream.linear.scatter [tilespmem:s10], [sflag:$0x3], $0x4000, $0x38;
	[tilespmem:$0x18600] =	vst v63  }
0x143: {  	_ =	swait.ge [sflag:s3], $0x4000  }
0x144: {  	[sflag:s3] =	ssyncset.done $0x0  }
0x145: {  	s30 =	rddreg [dreg:$0xa];
	[sflag:s3] =	ssyncadd.s32 $0xFFFFC000  }
0x146: {  	[hbm4b:s30+s2] =	stream.linear.scatter [tilespmem:s9], [sflag:$0x3], $0x4000, $0x38;
	[tilespmem:$0x18600] =	vst v63  }
0x147: {  	_ =	swait.ge [sflag:s3], $0x4000  }
0x148: {  	[sflag:s3] =	ssyncset.done $0x0  }
0x149: {  	[sflag:s3] =	ssyncadd.s32 $0xFFFFC000  }
0x14a: {  	[tilespmem:s11], [sflag:$0x2] =	stream.indirect.gather [hbm4b:s7+s19], $0x80, s21, s19, $0xb8;
	[tilespmem:$0x18600] =	vst v63  }
0x14b: {  	_ = 	snop  }
0x14c: {  	[tilespmem:s10], [sflag:$0x2] =	stream.indirect.gather [hbm4b:s7+s19], $0x80, s22, s19, $0xb8;
	[tilespmem:$0x18600] =	vst v63  }
0x14d: {  	_ = 	snop  }
0x14e: {  	[tilespmem:s9], [sflag:$0x2] =	stream.indirect.gather [hbm4b:s5+s19], $0x80, s23, s19, $0xb8;
	[tilespmem:$0x18600] =	vst v63  }
0x14f: {  	_ =	swait.ge [sflag:s20], $0x4000  }
0x150: {  	[sflag:s20] =	ssyncset.done $0x0  }
0x151: {  	[sflag:s20] =	ssyncadd.s32 $0xFFFFC000  }
0x152: {  	_ =	swait.ge [sflag:s20], $0x4000  }
0x153: {  	[sflag:s20] =	ssyncset.done $0x0  }
0x154: {  	[sflag:s20] =	ssyncadd.s32 $0xFFFFC000  }
0x155: {  	_ =	swait.ge [sflag:s20], $0x4000  }
0x156: {  	[sflag:s20] =	ssyncset.done $0x0  }
0x157: {  	[sflag:s20] =	ssyncadd.s32 $0xFFFFC000  }
0x158: {  	[hbm4b:s14+s2] =	stream.linear.scatter [tilespmem:s18], [sflag:$0x3], $0x4000, $0x38;
	[tilespmem:$0x18600] =	vst v63  }
0x159: {  	_ =	swait.ge [sflag:s3], $0x4000  }
0x15a: {  	[sflag:s3] =	ssyncset.done $0x0  }
0x15b: {  	[sflag:s3] =	ssyncadd.s32 $0xFFFFC000  }
0x15c: {  	[hbm4b:s13+s2] =	stream.linear.scatter [tilespmem:s17], [sflag:$0x3], $0x4000, $0x38;
	[tilespmem:$0x18600] =	vst v63  }
0x15d: {  	_ =	swait.ge [sflag:s3], $0x4000  }
0x15e: {  	[sflag:s3] =	ssyncset.done $0x0  }
0x15f: {  	[sflag:s3] =	ssyncadd.s32 $0xFFFFC000  }
0x160: {  	[hbm4b:s12+s2] =	stream.linear.scatter [tilespmem:s15], [sflag:$0x3], $0x4000, $0x38;
	[tilespmem:$0x18600] =	vst v63  }
0x161: {  	_ =	swait.ge [sflag:s3], $0x4000  }
0x162: {  	[sflag:s3] =	ssyncset.done $0x0  }
0x163: {  	[sflag:s3] =	ssyncadd.s32 $0xFFFFC000  }
0x164: {  	_ =	swait.ge [sflag:s16], $0x4000  }
0x165: {  	[sflag:s16] =	ssyncset.done $0x0  }
0x166: {  	[sflag:s16] =	ssyncadd.s32 $0xFFFFC000  }
0x167: {  	_ =	swait.ge [sflag:s16], $0x4000  }
0x168: {  	[sflag:s16] =	ssyncset.done $0x0  }
0x169: {  	[sflag:s16] =	ssyncadd.s32 $0xFFFFC000  }
0x16a: {  	_ =	swait.ge [sflag:s16], $0x4000  }
0x16b: {  	[sflag:s16] =	ssyncset.done $0x0  }
0x16c: {  	[sflag:s16] =	ssyncadd.s32 $0xFFFFC000  }
0x16d: {  	[hbm4b:s8+s2] =	stream.linear.scatter [tilespmem:s11], [sflag:$0x3], $0x4000, $0x38;
	[tilespmem:$0x18600] =	vst v63  }
0x16e: {  	_ =	swait.ge [sflag:s3], $0x4000  }
0x16f: {  	[sflag:s3] =	ssyncset.done $0x0  }
0x170: {  	[sflag:s3] =	ssyncadd.s32 $0xFFFFC000  }
0x171: {  	[hbm4b:s6+s2] =	stream.linear.scatter [tilespmem:s10], [sflag:$0x3], $0x4000, $0x38;
	[tilespmem:$0x18600] =	vst v63  }
0x172: {  	_ =	swait.ge [sflag:s3], $0x4000  }
0x173: {  	[sflag:s3] =	ssyncset.done $0x0  }
0x174: {  	[sflag:s3] =	ssyncadd.s32 $0xFFFFC000  }
0x175: {  	[hbm4b:s4+s2] =	stream.linear.scatter [tilespmem:s9], [sflag:$0x3], $0x4000, $0x38;
	[tilespmem:$0x18600] =	vst v63  }
0x176: {  	_ =	swait.ge [sflag:s3], $0x4000  }
0x177: {  	[sflag:s3] =	ssyncset.done $0x0  }
0x178: {  	[sflag:s3] =	ssyncadd.s32 $0xFFFFC000  }
0x179: {  	_ =	sfence.sel $0x180000  }
0x17a: {  	[bflag:$0x0] =	sbarrier.arrive $0xFFFF  }
0x17b: {  	_ =	strace $0x90000047  }
0x17c: {  	s31 =	stileid.u32;
	[bflag:$0x2] =	sbarrier.arrive $0xFFFF  }
0x17d: {  	p0 =	sne.s32 s31, $0x0;
	s0 =	rddreg [dreg:$0x1]  }
0x17e: {  	s0 =	sadd.s32 @!p0 $0x100000, s0  }
0x17f: {  	[sflag:s0] =	ssyncadd.tile.s32 @!p0 $0x1;
	_ =	shalt  }
.Lfunc_end2:
_tile_overlayer_lowered:
.L_overlay_start_2:
0x180: {  	(tag) =	ssettag $0x2  }
0x181: {  	s0 =	rddreg [dreg:$0x0];
	s2 =	stileid.u32  }
0x182: {  	s1 =	rddreg [dreg:$0x1];
	p0 =	sne.s32 s2, $0x0  }
0x183: {  	s3 =	rddreg [dreg:$0x2];
	[bflag:$0x3] =	sbarrier.arrive $0xFFFF;
	s2 =	simm.s32 @!p0 $0x1C03  }
0x184: {  	[timem:s3], [sflag:s2] =	dma.local @!p0 [hbm:s0], s1  }
0x185: {  	s0 =	simm.s32 @!p0 $0x3  }
0x186: {  	_ =	swait.ge @!p0 [sflag:s0], s1  }
0x187: {  	s1 =	ssub.s32 @!p0 $0x0, s1;
	[sflag:s0] =	ssyncset.done @!p0 $0x0  }
0x188: {  	[sflag:s0] =	ssyncadd.s32 @!p0 s1  }
0x189: {  	[bflag:$0x3] =	sbarrier.arrive $0xFFFF  }
0x18a: {  	_ =	shalt  }

</sc_bundles>
